<compile_context>
chip_gen: v7x
topology: tpu7x:2x2x1
jax: 0.10.2.dev20260603
libtpu: 0.0.44.dev20260713+nightly
codegen_flags: <defaults>
</compile_context>

<pallas_src>
import functools

import jax
import jax.numpy as jnp
from jax import lax
from jax.experimental import pallas as pl
from jax.experimental.pallas import tpu as pltpu
from jax.experimental.pallas import tpu_sc as plsc

N = 5000
NPAD = 5120
L = 16
IMG = 1024.0
SCORE_THRESH = 0.05
NMS_THRESH = 0.5
DETS = 100
KBUF = 112
OBUF = 128

_f32 = jnp.float32
_i32 = jnp.int32


def _splat(ref, i):
    return plsc.load_gather(ref, [jnp.full((L,), i, _i32)])


def _nms_body(
    x1_h, y1_h, x2_h, y2_h, dx_h, dy_h, dw_h, dh_h, ord_h, s_h,
    ox1_h, oy1_h, ox2_h, oy2_h, os_h,
    x1_v, y1_v, x2_v, y2_v, dx_v, dy_v, dw_v, dh_v, ord_v, s_v,
    bx1_v, by1_v, bx2_v, by2_v, ar_v,
    kx1_v, ky1_v, kx2_v, ky2_v, kar_v, ks_v,
    fill_v,
    ox1_v, oy1_v, ox2_v, oy2_v, os_v,
    dma_sem,
):
    cid = lax.axis_index("c")
    sid = lax.axis_index("s")

    is_worker = (cid == 0) & (sid == 0)

    @pl.when(is_worker)
    def _():
        copies = [
            pltpu.async_copy(src_h, dst_v.at[pl.ds(0, N)], dma_sem)
            for src_h, dst_v in (
                (x1_h, x1_v), (y1_h, y1_v), (x2_h, x2_v), (y2_h, y2_v),
                (dx_h, dx_v), (dy_h, dy_v), (dw_h, dw_v), (dh_h, dh_v),
                (ord_h, ord_v), (s_h, s_v),
            )
        ]
        for cp in copies:
            cp.wait()

    zf = jnp.zeros((L,), _f32)
    zi = jnp.zeros((L,), _i32)
    for ch in range(KBUF // L):
        sl = pl.ds(ch * L, L)
        kx1_v[sl] = zf
        ky1_v[sl] = zf
        kx2_v[sl] = zf
        ky2_v[sl] = zf
        kar_v[sl] = zf
        ks_v[sl] = zf
    for ch in range(OBUF // L):
        fill_v[pl.ds(ch * L, L)] = zi

    def decode(ch, carry):
        sl = pl.ds(ch * L, L)
        o = jnp.minimum(jnp.maximum(ord_v[sl], 0), N - 1)
        px1 = plsc.load_gather(x1_v, [o])
        py1 = plsc.load_gather(y1_v, [o])
        px2 = plsc.load_gather(x2_v, [o])
        py2 = plsc.load_gather(y2_v, [o])
        w = px2 - px1
        h = py2 - py1
        cx = px1 + 0.5 * w
        cy = py1 + 0.5 * h
        ddw = jnp.minimum(plsc.load_gather(dw_v, [o]), 4.0)
        ddh = jnp.minimum(plsc.load_gather(dh_v, [o]), 4.0)
        qx = plsc.load_gather(dx_v, [o]) * w + cx
        qy = plsc.load_gather(dy_v, [o]) * h + cy
        qw = jnp.exp(ddw) * w
        qh = jnp.exp(ddh) * h
        b0 = jnp.minimum(jnp.maximum(qx - 0.5 * qw, 0.0), IMG)
        b1 = jnp.minimum(jnp.maximum(qy - 0.5 * qh, 0.0), IMG)
        b2 = jnp.minimum(jnp.maximum(qx + 0.5 * qw, 0.0), IMG)
        b3 = jnp.minimum(jnp.maximum(qy + 0.5 * qh, 0.0), IMG)
        bx1_v[sl] = b0
        by1_v[sl] = b1
        bx2_v[sl] = b2
        by2_v[sl] = b3
        ar_v[sl] = (b2 - b0) * (b3 - b1)
        return carry

    lane = lax.iota(_i32, L)
    mask0 = lane == 0

    BLK = 128

    def body(i, st):
        kc, fc = st
        sv = _splat(s_v, i)
        bx1 = _splat(bx1_v, i)
        by1 = _splat(by1_v, i)
        bx2 = _splat(bx2_v, i)
        by2 = _splat(by2_v, i)
        ba = _splat(ar_v, i)

        def max_iou(nch):
            m = jnp.zeros((L,), _f32)
            for ch in range(nch):
                sl = pl.ds(ch * L, L)
                ltx = jnp.maximum(bx1, kx1_v[sl])
                lty = jnp.maximum(by1, ky1_v[sl])
                rbx = jnp.minimum(bx2, kx2_v[sl])
                rby = jnp.minimum(by2, ky2_v[sl])
                iw = jnp.maximum(rbx - ltx, 0.0)
                ih = jnp.maximum(rby - lty, 0.0)
                inter = iw * ih
                iou = inter / (ba + kar_v[sl] - inter + 1e-9)
                m = jnp.maximum(m, iou)
            return m

        suppressed = lax.cond(
            kc <= 2 * L,
            lambda _: max_iou(2),
            lambda _: max_iou(KBUF // L),
            0,
        )
        kept = (jnp.any(sv > 0.0)
                & jnp.logical_not(jnp.any(suppressed > NMS_THRESH))
                & (kc < DETS) & (i < N))

        kidx = jnp.full((L,), jnp.where(kept, kc, KBUF - 1), _i32)
        kmask = mask0 & kept
        plsc.store_scatter(kx1_v, [kidx], bx1, mask=kmask)
        plsc.store_scatter(ky1_v, [kidx], by1, mask=kmask)
        plsc.store_scatter(kx2_v, [kidx], bx2, mask=kmask)
        plsc.store_scatter(ky2_v, [kidx], by2, mask=kmask)
        plsc.store_scatter(kar_v, [kidx], ba, mask=kmask)
        plsc.store_scatter(ks_v, [kidx], sv, mask=kmask)

        take_fill = jnp.logical_not(kept) & (fc < OBUF) & (i < N)
        fidx = jnp.full((L,), jnp.where(take_fill, fc, OBUF - 1), _i32)
        plsc.store_scatter(fill_v, [fidx], jnp.full((L,), i, _i32),
                           mask=mask0 & take_fill)

        return (kc + kept.astype(_i32),
                fc + take_fill.astype(_i32))

    def block(b, st):
        def run(s):
            lax.fori_loop(b * (BLK // L), (b + 1) * (BLK // L), decode, 0)
            return lax.fori_loop(b * BLK, (b + 1) * BLK, body, s)

        return lax.cond(st[0] < DETS, run, lambda s: s, st)

    kc0 = jnp.where(is_worker, _i32(0), _i32(DETS))
    kc, _ = lax.fori_loop(0, NPAD // BLK, block, (kc0, _i32(0)))

    kcv = jnp.full((L,), kc, _i32)

    def assemble(ch, carry):
        sl = pl.ds(ch * L, L)
        pv = lane + ch * L
        is_kept = pv < kcv
        fi = jnp.maximum(pv - kcv, 0)
        fidx = plsc.load_gather(fill_v, [fi])
        fx1 = plsc.load_gather(bx1_v, [fidx])
        fy1 = plsc.load_gather(by1_v, [fidx])
        fx2 = plsc.load_gather(bx2_v, [fidx])
        fy2 = plsc.load_gather(by2_v, [fidx])
        kp = jnp.minimum(pv, KBUF - 1)
        kx1 = plsc.load_gather(kx1_v, [kp])
        ky1 = plsc.load_gather(ky1_v, [kp])
        kx2 = plsc.load_gather(kx2_v, [kp])
        ky2 = plsc.load_gather(ky2_v, [kp])
        ksv = plsc.load_gather(ks_v, [kp])
        ox1_v[sl] = jnp.where(is_kept, kx1, fx1)
        oy1_v[sl] = jnp.where(is_kept, ky1, fy1)
        ox2_v[sl] = jnp.where(is_kept, kx2, fx2)
        oy2_v[sl] = jnp.where(is_kept, ky2, fy2)
        os_v[sl] = jnp.where(is_kept, ksv, jnp.full((L,), -1.0, _f32))
        return carry

    lax.fori_loop(0, OBUF // L, assemble, 0)

    @pl.when(is_worker)
    def _():
        for src, dst in (
            (ox1_v, ox1_h), (oy1_v, oy1_h), (ox2_v, ox2_h), (oy2_v, oy2_h),
            (os_v, os_h),
        ):
            pltpu.sync_copy(src, dst)


_out_col = jax.ShapeDtypeStruct((OBUF,), _f32)

_nms_call = functools.partial(
    pl.kernel,
    mesh=plsc.VectorSubcoreMesh(core_axis_name="c", subcore_axis_name="s", num_cores=1),
    out_type=[_out_col] * 5,
    scratch_types=(
        [pltpu.VMEM((NPAD,), _f32)] * 8
        + [pltpu.VMEM((NPAD,), _i32)]
        + [pltpu.VMEM((NPAD,), _f32)]
        + [pltpu.VMEM((NPAD,), _f32)] * 5
        + [pltpu.VMEM((KBUF,), _f32)] * 6
        + [pltpu.VMEM((OBUF,), _i32)]
        + [pltpu.VMEM((OBUF,), _f32)] * 5
        + [pltpu.SemaphoreType.DMA]
    ),
    compiler_params=pltpu.CompilerParams(needs_layout_passes=False),
)(_nms_body)


@jax.jit
def kernel(proposals, deltas, scores):
    s = jnp.where(scores > SCORE_THRESH, scores, -1.0)
    neg_s_sorted, order = lax.sort(
        (-s, lax.iota(_i32, N)), num_keys=1, is_stable=True)
    ox1, oy1, ox2, oy2, osc = _nms_call(
        proposals[:, 0], proposals[:, 1], proposals[:, 2], proposals[:, 3],
        deltas[:, 0], deltas[:, 1], deltas[:, 2], deltas[:, 3],
        order, -neg_s_sorted)
    return jnp.stack(
        [ox1[:DETS], oy1[:DETS], ox2[:DETS], oy2[:DETS], osc[:DETS]], axis=1
    )

# --- scband reference (transcript-rebuilt; emitter-appended) ---
"""Pipeline reference for scband-roiheads-46291157516736 (READ-ONLY COPY).

The authoritative reference and input builder live on the scoring server;
editing this copy changes nothing except your own understanding.
"""

import jax, jax.numpy as jnp
import numpy as np

N = 5000
IMG = 1024.0
SCORE_THRESH = 0.05
NMS_THRESH = 0.5
DETS = 100


def setup_inputs(seed: int = 0) -> dict:
    key = jax.random.key(seed)
    k1, k2, k3 = jax.random.split(key, 3)
    r = jax.random.uniform(k1, (N, 4), dtype=jnp.float32)
    x1 = r[:, 0] * (IMG - 64.0)
    y1 = r[:, 1] * (IMG - 64.0)
    w = r[:, 2] * 256.0 + 16.0
    h = r[:, 3] * 256.0 + 16.0
    proposals = jnp.stack([x1, y1, jnp.minimum(x1 + w, IMG), jnp.minimum(y1 + h, IMG)], axis=1)
    deltas = jax.random.normal(k2, (N, 4), dtype=jnp.float32) * 0.1
    scores = jax.random.uniform(k3, (N,), dtype=jnp.float32)
    return {"proposals": proposals, "deltas": deltas, "scores": scores}


def _decode(proposals, deltas):
    # Standard Fast R-CNN box decoding (decoded_outputs of FastRCNNOutputs)
    widths = proposals[:, 2] - proposals[:, 0]
    heights = proposals[:, 3] - proposals[:, 1]
    ctr_x = proposals[:, 0] + 0.5 * widths
    ctr_y = proposals[:, 1] + 0.5 * heights
    dx, dy, dw, dh = deltas[:, 0], deltas[:, 1], deltas[:, 2], deltas[:, 3]
    dw = jnp.minimum(dw, 4.0)
    dh = jnp.minimum(dh, 4.0)
    px = dx * widths + ctr_x
    py = dy * heights + ctr_y
    pw = jnp.exp(dw) * widths
    ph = jnp.exp(dh) * heights
    boxes = jnp.stack([px - 0.5 * pw, py - 0.5 * ph, px + 0.5 * pw, py + 0.5 * ph], axis=1)
    return jnp.clip(boxes, 0.0, IMG)


def _iou_matrix(boxes):
    # boxlist_iou: full pairwise IoU, O(N^2) compute
    area = (boxes[:, 2] - boxes[:, 0]) * (boxes[:, 3] - boxes[:, 1])
    lt = jnp.maximum(boxes[:, None, :2], boxes[None, :, :2])
    rb = jnp.minimum(boxes[:, None, 2:], boxes[None, :, 2:])
    wh = jnp.clip(rb - lt, 0.0)
    inter = wh[..., 0] * wh[..., 1]
    return inter / (area[:, None] + area[None, :] - inter + 1e-9)


def reference(proposals, deltas, scores):
    # fastrcnn_inference: decode -> score threshold -> greedy NMS -> top detections_per_img
    boxes = _decode(proposals, deltas)
    valid = scores > SCORE_THRESH
    s = jnp.where(valid, scores, -1.0)
    order = jnp.argsort(-s)
    boxes_s = boxes[order]
    s_s = s[order]
    iou = _iou_matrix(boxes_s)
    idx = jnp.arange(N)

    def body(i, keep):
        sup = (iou[i] > NMS_THRESH) & keep[i] & (idx > i)
        return keep & (~sup)

    keep = jax.lax.fori_loop(0, N, body, s_s > 0.0)
    final_scores = jnp.where(keep, s_s, -1.0)
    top_s, top_idx = jax.lax.top_k(final_scores, DETS)
    top_boxes = boxes_s[top_idx]
    return jnp.concatenate([top_boxes, top_s[:, None]], axis=1)

if __name__ == "__main__":
    import jax
    _d = setup_inputs()
    print(jax.jit(kernel)(*tuple(_d.values())))

</pallas_src>

<mosaic_0001>
#map = affine_map<(d0, d1) -> (0)>
module attributes {stable_mosaic.version = 14 : i64} {
  func.func @_nms_body(%arg0: i32, %arg1: i32, %arg2: memref<5000xf32, #tpu.memory_space<hbm>>, %arg3: memref<5000xf32, #tpu.memory_space<hbm>>, %arg4: memref<5000xf32, #tpu.memory_space<hbm>>, %arg5: memref<5000xf32, #tpu.memory_space<hbm>>, %arg6: memref<5000xf32, #tpu.memory_space<hbm>>, %arg7: memref<5000xf32, #tpu.memory_space<hbm>>, %arg8: memref<5000xf32, #tpu.memory_space<hbm>>, %arg9: memref<5000xf32, #tpu.memory_space<hbm>>, %arg10: memref<5000xi32, #tpu.memory_space<hbm>>, %arg11: memref<5000xf32, #tpu.memory_space<hbm>>, %arg12: memref<128xf32, #tpu.memory_space<hbm>>, %arg13: memref<128xf32, #tpu.memory_space<hbm>>, %arg14: memref<128xf32, #tpu.memory_space<hbm>>, %arg15: memref<128xf32, #tpu.memory_space<hbm>>, %arg16: memref<128xf32, #tpu.memory_space<hbm>>, %arg17: memref<5120xf32, #tpu.memory_space<vmem>>, %arg18: memref<5120xf32, #tpu.memory_space<vmem>>, %arg19: memref<5120xf32, #tpu.memory_space<vmem>>, %arg20: memref<5120xf32, #tpu.memory_space<vmem>>, %arg21: memref<5120xf32, #tpu.memory_space<vmem>>, %arg22: memref<5120xf32, #tpu.memory_space<vmem>>, %arg23: memref<5120xf32, #tpu.memory_space<vmem>>, %arg24: memref<5120xf32, #tpu.memory_space<vmem>>, %arg25: memref<5120xi32, #tpu.memory_space<vmem>>, %arg26: memref<5120xf32, #tpu.memory_space<vmem>>, %arg27: memref<5120xf32, #tpu.memory_space<vmem>>, %arg28: memref<5120xf32, #tpu.memory_space<vmem>>, %arg29: memref<5120xf32, #tpu.memory_space<vmem>>, %arg30: memref<5120xf32, #tpu.memory_space<vmem>>, %arg31: memref<5120xf32, #tpu.memory_space<vmem>>, %arg32: memref<112xf32, #tpu.memory_space<vmem>>, %arg33: memref<112xf32, #tpu.memory_space<vmem>>, %arg34: memref<112xf32, #tpu.memory_space<vmem>>, %arg35: memref<112xf32, #tpu.memory_space<vmem>>, %arg36: memref<112xf32, #tpu.memory_space<vmem>>, %arg37: memref<112xf32, #tpu.memory_space<vmem>>, %arg38: memref<128xi32, #tpu.memory_space<vmem>>, %arg39: memref<128xf32, #tpu.memory_space<vmem>>, %arg40: memref<128xf32, #tpu.memory_space<vmem>>, %arg41: memref<128xf32, #tpu.memory_space<vmem>>, %arg42: memref<128xf32, #tpu.memory_space<vmem>>, %arg43: memref<128xf32, #tpu.memory_space<vmem>>, %arg44: memref<!tpu.dma_semaphore, #tpu.memory_space<semaphore_mem>>) attributes {dimension_semantics = [#tpu.dimension_semantics<core_parallel>, #tpu.dimension_semantics<subcore_parallel>], iteration_bounds = array<i64: 1, 16>, scalar_prefetch = 0 : i64, scratch_operands = 28 : i64, tpu.core_type = #tpu.core_type<sc_vector_subcore>, window_params = [{transform_indices = #map}, {transform_indices = #map}, {transform_indices = #map}, {transform_indices = #map}, {transform_indices = #map}, {transform_indices = #map}, {transform_indices = #map}, {transform_indices = #map}, {transform_indices = #map}, {transform_indices = #map}, {transform_indices = #map}, {transform_indices = #map}, {transform_indices = #map}, {transform_indices = #map}, {transform_indices = #map}]} {
    %eq3A = arith.constant 0 : i32
    %eq3A_0 = arith.cmpi eq, %arg0, %eq3A : i32
    %eq3A_1 = arith.constant 0 : i32
    %eq3A_2 = arith.cmpi eq, %arg1, %eq3A_1 : i32
    %and3A = arith.andi %eq3A_0, %eq3A_2 : i1
    %convert_element_type3A = arith.extui %and3A : i1 to i32
    %cond3A = arith.constant 0 : i32
    %cond3A_3 = arith.cmpi ne, %convert_element_type3A, %cond3A : i32
    scf.if %cond3A_3 {
      %dma_start3A = arith.constant 0 : i32
      %dma_start3A_126 = tpu.memref_slice %arg17[%dma_start3A] : memref<5120xf32, #tpu.memory_space<vmem>> -> memref<5000xf32, #tpu.memory_space<vmem>>
      %dma_start3A_127 = arith.constant 0 : i32
      %dma_start3A_128 = tpu.memref_slice %arg17[%dma_start3A_127] : memref<5120xf32, #tpu.memory_space<vmem>> -> memref<5000xf32, #tpu.memory_space<vmem>>
      tpu.enqueue_dma source(%arg2 : memref<5000xf32, #tpu.memory_space<hbm>>) target(%dma_start3A_128 : memref<5000xf32, #tpu.memory_space<vmem>>) target_semaphore(%arg44 : memref<!tpu.dma_semaphore, #tpu.memory_space<semaphore_mem>>)
      %dma_start3A_129 = arith.constant 0 : i32
      %dma_start3A_130 = tpu.memref_slice %arg18[%dma_start3A_129] : memref<5120xf32, #tpu.memory_space<vmem>> -> memref<5000xf32, #tpu.memory_space<vmem>>
      %dma_start3A_131 = arith.constant 0 : i32
      %dma_start3A_132 = tpu.memref_slice %arg18[%dma_start3A_131] : memref<5120xf32, #tpu.memory_space<vmem>> -> memref<5000xf32, #tpu.memory_space<vmem>>
      tpu.enqueue_dma source(%arg3 : memref<5000xf32, #tpu.memory_space<hbm>>) target(%dma_start3A_132 : memref<5000xf32, #tpu.memory_space<vmem>>) target_semaphore(%arg44 : memref<!tpu.dma_semaphore, #tpu.memory_space<semaphore_mem>>)
      %dma_start3A_133 = arith.constant 0 : i32
      %dma_start3A_134 = tpu.memref_slice %arg19[%dma_start3A_133] : memref<5120xf32, #tpu.memory_space<vmem>> -> memref<5000xf32, #tpu.memory_space<vmem>>
      %dma_start3A_135 = arith.constant 0 : i32
      %dma_start3A_136 = tpu.memref_slice %arg19[%dma_start3A_135] : memref<5120xf32, #tpu.memory_space<vmem>> -> memref<5000xf32, #tpu.memory_space<vmem>>
      tpu.enqueue_dma source(%arg4 : memref<5000xf32, #tpu.memory_space<hbm>>) target(%dma_start3A_136 : memref<5000xf32, #tpu.memory_space<vmem>>) target_semaphore(%arg44 : memref<!tpu.dma_semaphore, #tpu.memory_space<semaphore_mem>>)
      %dma_start3A_137 = arith.constant 0 : i32
      %dma_start3A_138 = tpu.memref_slice %arg20[%dma_start3A_137] : memref<5120xf32, #tpu.memory_space<vmem>> -> memref<5000xf32, #tpu.memory_space<vmem>>
      %dma_start3A_139 = arith.constant 0 : i32
      %dma_start3A_140 = tpu.memref_slice %arg20[%dma_start3A_139] : memref<5120xf32, #tpu.memory_space<vmem>> -> memref<5000xf32, #tpu.memory_space<vmem>>
      tpu.enqueue_dma source(%arg5 : memref<5000xf32, #tpu.memory_space<hbm>>) target(%dma_start3A_140 : memref<5000xf32, #tpu.memory_space<vmem>>) target_semaphore(%arg44 : memref<!tpu.dma_semaphore, #tpu.memory_space<semaphore_mem>>)
      %dma_start3A_141 = arith.constant 0 : i32
      %dma_start3A_142 = tpu.memref_slice %arg21[%dma_start3A_141] : memref<5120xf32, #tpu.memory_space<vmem>> -> memref<5000xf32, #tpu.memory_space<vmem>>
      %dma_start3A_143 = arith.constant 0 : i32
      %dma_start3A_144 = tpu.memref_slice %arg21[%dma_start3A_143] : memref<5120xf32, #tpu.memory_space<vmem>> -> memref<5000xf32, #tpu.memory_space<vmem>>
      tpu.enqueue_dma source(%arg6 : memref<5000xf32, #tpu.memory_space<hbm>>) target(%dma_start3A_144 : memref<5000xf32, #tpu.memory_space<vmem>>) target_semaphore(%arg44 : memref<!tpu.dma_semaphore, #tpu.memory_space<semaphore_mem>>)
      %dma_start3A_145 = arith.constant 0 : i32
      %dma_start3A_146 = tpu.memref_slice %arg22[%dma_start3A_145] : memref<5120xf32, #tpu.memory_space<vmem>> -> memref<5000xf32, #tpu.memory_space<vmem>>
      %dma_start3A_147 = arith.constant 0 : i32
      %dma_start3A_148 = tpu.memref_slice %arg22[%dma_start3A_147] : memref<5120xf32, #tpu.memory_space<vmem>> -> memref<5000xf32, #tpu.memory_space<vmem>>
      tpu.enqueue_dma source(%arg7 : memref<5000xf32, #tpu.memory_space<hbm>>) target(%dma_start3A_148 : memref<5000xf32, #tpu.memory_space<vmem>>) target_semaphore(%arg44 : memref<!tpu.dma_semaphore, #tpu.memory_space<semaphore_mem>>)
      %dma_start3A_149 = arith.constant 0 : i32
      %dma_start3A_150 = tpu.memref_slice %arg23[%dma_start3A_149] : memref<5120xf32, #tpu.memory_space<vmem>> -> memref<5000xf32, #tpu.memory_space<vmem>>
      %dma_start3A_151 = arith.constant 0 : i32
      %dma_start3A_152 = tpu.memref_slice %arg23[%dma_start3A_151] : memref<5120xf32, #tpu.memory_space<vmem>> -> memref<5000xf32, #tpu.memory_space<vmem>>
      tpu.enqueue_dma source(%arg8 : memref<5000xf32, #tpu.memory_space<hbm>>) target(%dma_start3A_152 : memref<5000xf32, #tpu.memory_space<vmem>>) target_semaphore(%arg44 : memref<!tpu.dma_semaphore, #tpu.memory_space<semaphore_mem>>)
      %dma_start3A_153 = arith.constant 0 : i32
      %dma_start3A_154 = tpu.memref_slice %arg24[%dma_start3A_153] : memref<5120xf32, #tpu.memory_space<vmem>> -> memref<5000xf32, #tpu.memory_space<vmem>>
      %dma_start3A_155 = arith.constant 0 : i32
      %dma_start3A_156 = tpu.memref_slice %arg24[%dma_start3A_155] : memref<5120xf32, #tpu.memory_space<vmem>> -> memref<5000xf32, #tpu.memory_space<vmem>>
      tpu.enqueue_dma source(%arg9 : memref<5000xf32, #tpu.memory_space<hbm>>) target(%dma_start3A_156 : memref<5000xf32, #tpu.memory_space<vmem>>) target_semaphore(%arg44 : memref<!tpu.dma_semaphore, #tpu.memory_space<semaphore_mem>>)
      %dma_start3A_157 = arith.constant 0 : i32
      %dma_start3A_158 = tpu.memref_slice %arg25[%dma_start3A_157] : memref<5120xi32, #tpu.memory_space<vmem>> -> memref<5000xi32, #tpu.memory_space<vmem>>
      %dma_start3A_159 = arith.constant 0 : i32
      %dma_start3A_160 = tpu.memref_slice %arg25[%dma_start3A_159] : memref<5120xi32, #tpu.memory_space<vmem>> -> memref<5000xi32, #tpu.memory_space<vmem>>
      tpu.enqueue_dma source(%arg10 : memref<5000xi32, #tpu.memory_space<hbm>>) target(%dma_start3A_160 : memref<5000xi32, #tpu.memory_space<vmem>>) target_semaphore(%arg44 : memref<!tpu.dma_semaphore, #tpu.memory_space<semaphore_mem>>)
      %dma_start3A_161 = arith.constant 0 : i32
      %dma_start3A_162 = tpu.memref_slice %arg26[%dma_start3A_161] : memref<5120xf32, #tpu.memory_space<vmem>> -> memref<5000xf32, #tpu.memory_space<vmem>>
      %dma_start3A_163 = arith.constant 0 : i32
      %dma_start3A_164 = tpu.memref_slice %arg26[%dma_start3A_163] : memref<5120xf32, #tpu.memory_space<vmem>> -> memref<5000xf32, #tpu.memory_space<vmem>>
      tpu.enqueue_dma source(%arg11 : memref<5000xf32, #tpu.memory_space<hbm>>) target(%dma_start3A_164 : memref<5000xf32, #tpu.memory_space<vmem>>) target_semaphore(%arg44 : memref<!tpu.dma_semaphore, #tpu.memory_space<semaphore_mem>>)
      %dma_wait3A = arith.constant 0 : i32
      %dma_wait3A_165 = tpu.memref_slice %arg17[%dma_wait3A] : memref<5120xf32, #tpu.memory_space<vmem>> -> memref<5000xf32, #tpu.memory_space<vmem>>
      %dma_wait3A_166 = arith.constant 0 : i32
      %dma_wait3A_167 = tpu.memref_slice %arg17[%dma_wait3A_166] : memref<5120xf32, #tpu.memory_space<vmem>> -> memref<5000xf32, #tpu.memory_space<vmem>>
      tpu.wait_dma2 semaphore(%arg44 : memref<!tpu.dma_semaphore, #tpu.memory_space<semaphore_mem>>) src(%arg2 : memref<5000xf32, #tpu.memory_space<hbm>>) dst(%dma_wait3A_167 : memref<5000xf32, #tpu.memory_space<vmem>>)
      %dma_wait3A_168 = arith.constant 0 : i32
      %dma_wait3A_169 = tpu.memref_slice %arg18[%dma_wait3A_168] : memref<5120xf32, #tpu.memory_space<vmem>> -> memref<5000xf32, #tpu.memory_space<vmem>>
      %dma_wait3A_170 = arith.constant 0 : i32
      %dma_wait3A_171 = tpu.memref_slice %arg18[%dma_wait3A_170] : memref<5120xf32, #tpu.memory_space<vmem>> -> memref<5000xf32, #tpu.memory_space<vmem>>
      tpu.wait_dma2 semaphore(%arg44 : memref<!tpu.dma_semaphore, #tpu.memory_space<semaphore_mem>>) src(%arg3 : memref<5000xf32, #tpu.memory_space<hbm>>) dst(%dma_wait3A_171 : memref<5000xf32, #tpu.memory_space<vmem>>)
      %dma_wait3A_172 = arith.constant 0 : i32
      %dma_wait3A_173 = tpu.memref_slice %arg19[%dma_wait3A_172] : memref<5120xf32, #tpu.memory_space<vmem>> -> memref<5000xf32, #tpu.memory_space<vmem>>
      %dma_wait3A_174 = arith.constant 0 : i32
      %dma_wait3A_175 = tpu.memref_slice %arg19[%dma_wait3A_174] : memref<5120xf32, #tpu.memory_space<vmem>> -> memref<5000xf32, #tpu.memory_space<vmem>>
      tpu.wait_dma2 semaphore(%arg44 : memref<!tpu.dma_semaphore, #tpu.memory_space<semaphore_mem>>) src(%arg4 : memref<5000xf32, #tpu.memory_space<hbm>>) dst(%dma_wait3A_175 : memref<5000xf32, #tpu.memory_space<vmem>>)
      %dma_wait3A_176 = arith.constant 0 : i32
      %dma_wait3A_177 = tpu.memref_slice %arg20[%dma_wait3A_176] : memref<5120xf32, #tpu.memory_space<vmem>> -> memref<5000xf32, #tpu.memory_space<vmem>>
      %dma_wait3A_178 = arith.constant 0 : i32
      %dma_wait3A_179 = tpu.memref_slice %arg20[%dma_wait3A_178] : memref<5120xf32, #tpu.memory_space<vmem>> -> memref<5000xf32, #tpu.memory_space<vmem>>
      tpu.wait_dma2 semaphore(%arg44 : memref<!tpu.dma_semaphore, #tpu.memory_space<semaphore_mem>>) src(%arg5 : memref<5000xf32, #tpu.memory_space<hbm>>) dst(%dma_wait3A_179 : memref<5000xf32, #tpu.memory_space<vmem>>)
      %dma_wait3A_180 = arith.constant 0 : i32
      %dma_wait3A_181 = tpu.memref_slice %arg21[%dma_wait3A_180] : memref<5120xf32, #tpu.memory_space<vmem>> -> memref<5000xf32, #tpu.memory_space<vmem>>
      %dma_wait3A_182 = arith.constant 0 : i32
      %dma_wait3A_183 = tpu.memref_slice %arg21[%dma_wait3A_182] : memref<5120xf32, #tpu.memory_space<vmem>> -> memref<5000xf32, #tpu.memory_space<vmem>>
      tpu.wait_dma2 semaphore(%arg44 : memref<!tpu.dma_semaphore, #tpu.memory_space<semaphore_mem>>) src(%arg6 : memref<5000xf32, #tpu.memory_space<hbm>>) dst(%dma_wait3A_183 : memref<5000xf32, #tpu.memory_space<vmem>>)
      %dma_wait3A_184 = arith.constant 0 : i32
      %dma_wait3A_185 = tpu.memref_slice %arg22[%dma_wait3A_184] : memref<5120xf32, #tpu.memory_space<vmem>> -> memref<5000xf32, #tpu.memory_space<vmem>>
      %dma_wait3A_186 = arith.constant 0 : i32
      %dma_wait3A_187 = tpu.memref_slice %arg22[%dma_wait3A_186] : memref<5120xf32, #tpu.memory_space<vmem>> -> memref<5000xf32, #tpu.memory_space<vmem>>
      tpu.wait_dma2 semaphore(%arg44 : memref<!tpu.dma_semaphore, #tpu.memory_space<semaphore_mem>>) src(%arg7 : memref<5000xf32, #tpu.memory_space<hbm>>) dst(%dma_wait3A_187 : memref<5000xf32, #tpu.memory_space<vmem>>)
      %dma_wait3A_188 = arith.constant 0 : i32
      %dma_wait3A_189 = tpu.memref_slice %arg23[%dma_wait3A_188] : memref<5120xf32, #tpu.memory_space<vmem>> -> memref<5000xf32, #tpu.memory_space<vmem>>
      %dma_wait3A_190 = arith.constant 0 : i32
      %dma_wait3A_191 = tpu.memref_slice %arg23[%dma_wait3A_190] : memref<5120xf32, #tpu.memory_space<vmem>> -> memref<5000xf32, #tpu.memory_space<vmem>>
      tpu.wait_dma2 semaphore(%arg44 : memref<!tpu.dma_semaphore, #tpu.memory_space<semaphore_mem>>) src(%arg8 : memref<5000xf32, #tpu.memory_space<hbm>>) dst(%dma_wait3A_191 : memref<5000xf32, #tpu.memory_space<vmem>>)
      %dma_wait3A_192 = arith.constant 0 : i32
      %dma_wait3A_193 = tpu.memref_slice %arg24[%dma_wait3A_192] : memref<5120xf32, #tpu.memory_space<vmem>> -> memref<5000xf32, #tpu.memory_space<vmem>>
      %dma_wait3A_194 = arith.constant 0 : i32
      %dma_wait3A_195 = tpu.memref_slice %arg24[%dma_wait3A_194] : memref<5120xf32, #tpu.memory_space<vmem>> -> memref<5000xf32, #tpu.memory_space<vmem>>
      tpu.wait_dma2 semaphore(%arg44 : memref<!tpu.dma_semaphore, #tpu.memory_space<semaphore_mem>>) src(%arg9 : memref<5000xf32, #tpu.memory_space<hbm>>) dst(%dma_wait3A_195 : memref<5000xf32, #tpu.memory_space<vmem>>)
      %dma_wait3A_196 = arith.constant 0 : i32
      %dma_wait3A_197 = tpu.memref_slice %arg25[%dma_wait3A_196] : memref<5120xi32, #tpu.memory_space<vmem>> -> memref<5000xi32, #tpu.memory_space<vmem>>
      %dma_wait3A_198 = arith.constant 0 : i32
      %dma_wait3A_199 = tpu.memref_slice %arg25[%dma_wait3A_198] : memref<5120xi32, #tpu.memory_space<vmem>> -> memref<5000xi32, #tpu.memory_space<vmem>>
      tpu.wait_dma2 semaphore(%arg44 : memref<!tpu.dma_semaphore, #tpu.memory_space<semaphore_mem>>) src(%arg10 : memref<5000xi32, #tpu.memory_space<hbm>>) dst(%dma_wait3A_199 : memref<5000xi32, #tpu.memory_space<vmem>>)
      %dma_wait3A_200 = arith.constant 0 : i32
      %dma_wait3A_201 = tpu.memref_slice %arg26[%dma_wait3A_200] : memref<5120xf32, #tpu.memory_space<vmem>> -> memref<5000xf32, #tpu.memory_space<vmem>>
      %dma_wait3A_202 = arith.constant 0 : i32
      %dma_wait3A_203 = tpu.memref_slice %arg26[%dma_wait3A_202] : memref<5120xf32, #tpu.memory_space<vmem>> -> memref<5000xf32, #tpu.memory_space<vmem>>
      tpu.wait_dma2 semaphore(%arg44 : memref<!tpu.dma_semaphore, #tpu.memory_space<semaphore_mem>>) src(%arg11 : memref<5000xf32, #tpu.memory_space<hbm>>) dst(%dma_wait3A_203 : memref<5000xf32, #tpu.memory_space<vmem>>)
    } else {
    }
    %broadcast_in_dim3A = arith.constant 0.000000e+00 : f32
    %broadcast_in_dim3A_4 = vector.broadcast %broadcast_in_dim3A : f32 to vector<16xf32>
    %broadcast_in_dim3A_5 = arith.constant 0 : i32
    %broadcast_in_dim3A_6 = vector.broadcast %broadcast_in_dim3A_5 : i32 to vector<16xi32>
    %swap3A = arith.constant 0 : index
    %swap3A_7 = tpu.vector_load %arg32[%swap3A] {strides = array<i32>} : memref<112xf32, #tpu.memory_space<vmem>>, vector<16xf32>,
    tpu.vector_store %arg32[%swap3A], %broadcast_in_dim3A_4 {strides = array<i32>} : memref<112xf32, #tpu.memory_space<vmem>>, vector<16xf32>,
    %swap3A_8 = arith.constant 0 : index
    %swap3A_9 = tpu.vector_load %arg33[%swap3A_8] {strides = array<i32>} : memref<112xf32, #tpu.memory_space<vmem>>, vector<16xf32>,
    tpu.vector_store %arg33[%swap3A_8], %broadcast_in_dim3A_4 {strides = array<i32>} : memref<112xf32, #tpu.memory_space<vmem>>, vector<16xf32>,
    %swap3A_10 = arith.constant 0 : index
    %swap3A_11 = tpu.vector_load %arg34[%swap3A_10] {strides = array<i32>} : memref<112xf32, #tpu.memory_space<vmem>>, vector<16xf32>,
    tpu.vector_store %arg34[%swap3A_10], %broadcast_in_dim3A_4 {strides = array<i32>} : memref<112xf32, #tpu.memory_space<vmem>>, vector<16xf32>,
    %swap3A_12 = arith.constant 0 : index
    %swap3A_13 = tpu.vector_load %arg35[%swap3A_12] {strides = array<i32>} : memref<112xf32, #tpu.memory_space<vmem>>, vector<16xf32>,
    tpu.vector_store %arg35[%swap3A_12], %broadcast_in_dim3A_4 {strides = array<i32>} : memref<112xf32, #tpu.memory_space<vmem>>, vector<16xf32>,
    %swap3A_14 = arith.constant 0 : index
    %swap3A_15 = tpu.vector_load %arg36[%swap3A_14] {strides = array<i32>} : memref<112xf32, #tpu.memory_space<vmem>>, vector<16xf32>,
    tpu.vector_store %arg36[%swap3A_14], %broadcast_in_dim3A_4 {strides = array<i32>} : memref<112xf32, #tpu.memory_space<vmem>>, vector<16xf32>,
    %swap3A_16 = arith.constant 0 : index
    %swap3A_17 = tpu.vector_load %arg37[%swap3A_16] {strides = array<i32>} : memref<112xf32, #tpu.memory_space<vmem>>, vector<16xf32>,
    tpu.vector_store %arg37[%swap3A_16], %broadcast_in_dim3A_4 {strides = array<i32>} : memref<112xf32, #tpu.memory_space<vmem>>, vector<16xf32>,
    %swap3A_18 = arith.constant 16 : index
    %swap3A_19 = tpu.vector_load %arg32[%swap3A_18] {strides = array<i32>} : memref<112xf32, #tpu.memory_space<vmem>>, vector<16xf32>,
    tpu.vector_store %arg32[%swap3A_18], %broadcast_in_dim3A_4 {strides = array<i32>} : memref<112xf32, #tpu.memory_space<vmem>>, vector<16xf32>,
    %swap3A_20 = arith.constant 16 : index
    %swap3A_21 = tpu.vector_load %arg33[%swap3A_20] {strides = array<i32>} : memref<112xf32, #tpu.memory_space<vmem>>, vector<16xf32>,
    tpu.vector_store %arg33[%swap3A_20], %broadcast_in_dim3A_4 {strides = array<i32>} : memref<112xf32, #tpu.memory_space<vmem>>, vector<16xf32>,
    %swap3A_22 = arith.constant 16 : index
    %swap3A_23 = tpu.vector_load %arg34[%swap3A_22] {strides = array<i32>} : memref<112xf32, #tpu.memory_space<vmem>>, vector<16xf32>,
    tpu.vector_store %arg34[%swap3A_22], %broadcast_in_dim3A_4 {strides = array<i32>} : memref<112xf32, #tpu.memory_space<vmem>>, vector<16xf32>,
    %swap3A_24 = arith.constant 16 : index
    %swap3A_25 = tpu.vector_load %arg35[%swap3A_24] {strides = array<i32>} : memref<112xf32, #tpu.memory_space<vmem>>, vector<16xf32>,
    tpu.vector_store %arg35[%swap3A_24], %broadcast_in_dim3A_4 {strides = array<i32>} : memref<112xf32, #tpu.memory_space<vmem>>, vector<16xf32>,
    %swap3A_26 = arith.constant 16 : index
    %swap3A_27 = tpu.vector_load %arg36[%swap3A_26] {strides = array<i32>} : memref<112xf32, #tpu.memory_space<vmem>>, vector<16xf32>,
    tpu.vector_store %arg36[%swap3A_26], %broadcast_in_dim3A_4 {strides = array<i32>} : memref<112xf32, #tpu.memory_space<vmem>>, vector<16xf32>,
    %swap3A_28 = arith.constant 16 : index
    %swap3A_29 = tpu.vector_load %arg37[%swap3A_28] {strides = array<i32>} : memref<112xf32, #tpu.memory_space<vmem>>, vector<16xf32>,
    tpu.vector_store %arg37[%swap3A_28], %broadcast_in_dim3A_4 {strides = array<i32>} : memref<112xf32, #tpu.memory_space<vmem>>, vector<16xf32>,
    %swap3A_30 = arith.constant 32 : index
    %swap3A_31 = tpu.vector_load %arg32[%swap3A_30] {strides = array<i32>} : memref<112xf32, #tpu.memory_space<vmem>>, vector<16xf32>,
    tpu.vector_store %arg32[%swap3A_30], %broadcast_in_dim3A_4 {strides = array<i32>} : memref<112xf32, #tpu.memory_space<vmem>>, vector<16xf32>,
    %swap3A_32 = arith.constant 32 : index
    %swap3A_33 = tpu.vector_load %arg33[%swap3A_32] {strides = array<i32>} : memref<112xf32, #tpu.memory_space<vmem>>, vector<16xf32>,
    tpu.vector_store %arg33[%swap3A_32], %broadcast_in_dim3A_4 {strides = array<i32>} : memref<112xf32, #tpu.memory_space<vmem>>, vector<16xf32>,
    %swap3A_34 = arith.constant 32 : index
    %swap3A_35 = tpu.vector_load %arg34[%swap3A_34] {strides = array<i32>} : memref<112xf32, #tpu.memory_space<vmem>>, vector<16xf32>,
    tpu.vector_store %arg34[%swap3A_34], %broadcast_in_dim3A_4 {strides = array<i32>} : memref<112xf32, #tpu.memory_space<vmem>>, vector<16xf32>,
    %swap3A_36 = arith.constant 32 : index
    %swap3A_37 = tpu.vector_load %arg35[%swap3A_36] {strides = array<i32>} : memref<112xf32, #tpu.memory_space<vmem>>, vector<16xf32>,
    tpu.vector_store %arg35[%swap3A_36], %broadcast_in_dim3A_4 {strides = array<i32>} : memref<112xf32, #tpu.memory_space<vmem>>, vector<16xf32>,
    %swap3A_38 = arith.constant 32 : index
    %swap3A_39 = tpu.vector_load %arg36[%swap3A_38] {strides = array<i32>} : memref<112xf32, #tpu.memory_space<vmem>>, vector<16xf32>,
    tpu.vector_store %arg36[%swap3A_38], %broadcast_in_dim3A_4 {strides = array<i32>} : memref<112xf32, #tpu.memory_space<vmem>>, vector<16xf32>,
    %swap3A_40 = arith.constant 32 : index
    %swap3A_41 = tpu.vector_load %arg37[%swap3A_40] {strides = array<i32>} : memref<112xf32, #tpu.memory_space<vmem>>, vector<16xf32>,
    tpu.vector_store %arg37[%swap3A_40], %broadcast_in_dim3A_4 {strides = array<i32>} : memref<112xf32, #tpu.memory_space<vmem>>, vector<16xf32>,
    %swap3A_42 = arith.constant 48 : index
    %swap3A_43 = tpu.vector_load %arg32[%swap3A_42] {strides = array<i32>} : memref<112xf32, #tpu.memory_space<vmem>>, vector<16xf32>,
    tpu.vector_store %arg32[%swap3A_42], %broadcast_in_dim3A_4 {strides = array<i32>} : memref<112xf32, #tpu.memory_space<vmem>>, vector<16xf32>,
    %swap3A_44 = arith.constant 48 : index
    %swap3A_45 = tpu.vector_load %arg33[%swap3A_44] {strides = array<i32>} : memref<112xf32, #tpu.memory_space<vmem>>, vector<16xf32>,
    tpu.vector_store %arg33[%swap3A_44], %broadcast_in_dim3A_4 {strides = array<i32>} : memref<112xf32, #tpu.memory_space<vmem>>, vector<16xf32>,
    %swap3A_46 = arith.constant 48 : index
    %swap3A_47 = tpu.vector_load %arg34[%swap3A_46] {strides = array<i32>} : memref<112xf32, #tpu.memory_space<vmem>>, vector<16xf32>,
    tpu.vector_store %arg34[%swap3A_46], %broadcast_in_dim3A_4 {strides = array<i32>} : memref<112xf32, #tpu.memory_space<vmem>>, vector<16xf32>,
    %swap3A_48 = arith.constant 48 : index
    %swap3A_49 = tpu.vector_load %arg35[%swap3A_48] {strides = array<i32>} : memref<112xf32, #tpu.memory_space<vmem>>, vector<16xf32>,
    tpu.vector_store %arg35[%swap3A_48], %broadcast_in_dim3A_4 {strides = array<i32>} : memref<112xf32, #tpu.memory_space<vmem>>, vector<16xf32>,
    %swap3A_50 = arith.constant 48 : index
    %swap3A_51 = tpu.vector_load %arg36[%swap3A_50] {strides = array<i32>} : memref<112xf32, #tpu.memory_space<vmem>>, vector<16xf32>,
    tpu.vector_store %arg36[%swap3A_50], %broadcast_in_dim3A_4 {strides = array<i32>} : memref<112xf32, #tpu.memory_space<vmem>>, vector<16xf32>,
    %swap3A_52 = arith.constant 48 : index
    %swap3A_53 = tpu.vector_load %arg37[%swap3A_52] {strides = array<i32>} : memref<112xf32, #tpu.memory_space<vmem>>, vector<16xf32>,
    tpu.vector_store %arg37[%swap3A_52], %broadcast_in_dim3A_4 {strides = array<i32>} : memref<112xf32, #tpu.memory_space<vmem>>, vector<16xf32>,
    %swap3A_54 = arith.constant 64 : index
    %swap3A_55 = tpu.vector_load %arg32[%swap3A_54] {strides = array<i32>} : memref<112xf32, #tpu.memory_space<vmem>>, vector<16xf32>,
    tpu.vector_store %arg32[%swap3A_54], %broadcast_in_dim3A_4 {strides = array<i32>} : memref<112xf32, #tpu.memory_space<vmem>>, vector<16xf32>,
    %swap3A_56 = arith.constant 64 : index
    %swap3A_57 = tpu.vector_load %arg33[%swap3A_56] {strides = array<i32>} : memref<112xf32, #tpu.memory_space<vmem>>, vector<16xf32>,
    tpu.vector_store %arg33[%swap3A_56], %broadcast_in_dim3A_4 {strides = array<i32>} : memref<112xf32, #tpu.memory_space<vmem>>, vector<16xf32>,
    %swap3A_58 = arith.constant 64 : index
    %swap3A_59 = tpu.vector_load %arg34[%swap3A_58] {strides = array<i32>} : memref<112xf32, #tpu.memory_space<vmem>>, vector<16xf32>,
    tpu.vector_store %arg34[%swap3A_58], %broadcast_in_dim3A_4 {strides = array<i32>} : memref<112xf32, #tpu.memory_space<vmem>>, vector<16xf32>,
    %swap3A_60 = arith.constant 64 : index
    %swap3A_61 = tpu.vector_load %arg35[%swap3A_60] {strides = array<i32>} : memref<112xf32, #tpu.memory_space<vmem>>, vector<16xf32>,
    tpu.vector_store %arg35[%swap3A_60], %broadcast_in_dim3A_4 {strides = array<i32>} : memref<112xf32, #tpu.memory_space<vmem>>, vector<16xf32>,
    %swap3A_62 = arith.constant 64 : index
    %swap3A_63 = tpu.vector_load %arg36[%swap3A_62] {strides = array<i32>} : memref<112xf32, #tpu.memory_space<vmem>>, vector<16xf32>,
    tpu.vector_store %arg36[%swap3A_62], %broadcast_in_dim3A_4 {strides = array<i32>} : memref<112xf32, #tpu.memory_space<vmem>>, vector<16xf32>,
    %swap3A_64 = arith.constant 64 : index
    %swap3A_65 = tpu.vector_load %arg37[%swap3A_64] {strides = array<i32>} : memref<112xf32, #tpu.memory_space<vmem>>, vector<16xf32>,
    tpu.vector_store %arg37[%swap3A_64], %broadcast_in_dim3A_4 {strides = array<i32>} : memref<112xf32, #tpu.memory_space<vmem>>, vector<16xf32>,
    %swap3A_66 = arith.constant 80 : index
    %swap3A_67 = tpu.vector_load %arg32[%swap3A_66] {strides = array<i32>} : memref<112xf32, #tpu.memory_space<vmem>>, vector<16xf32>,
    tpu.vector_store %arg32[%swap3A_66], %broadcast_in_dim3A_4 {strides = array<i32>} : memref<112xf32, #tpu.memory_space<vmem>>, vector<16xf32>,
    %swap3A_68 = arith.constant 80 : index
    %swap3A_69 = tpu.vector_load %arg33[%swap3A_68] {strides = array<i32>} : memref<112xf32, #tpu.memory_space<vmem>>, vector<16xf32>,
    tpu.vector_store %arg33[%swap3A_68], %broadcast_in_dim3A_4 {strides = array<i32>} : memref<112xf32, #tpu.memory_space<vmem>>, vector<16xf32>,
    %swap3A_70 = arith.constant 80 : index
    %swap3A_71 = tpu.vector_load %arg34[%swap3A_70] {strides = array<i32>} : memref<112xf32, #tpu.memory_space<vmem>>, vector<16xf32>,
    tpu.vector_store %arg34[%swap3A_70], %broadcast_in_dim3A_4 {strides = array<i32>} : memref<112xf32, #tpu.memory_space<vmem>>, vector<16xf32>,
    %swap3A_72 = arith.constant 80 : index
    %swap3A_73 = tpu.vector_load %arg35[%swap3A_72] {strides = array<i32>} : memref<112xf32, #tpu.memory_space<vmem>>, vector<16xf32>,
    tpu.vector_store %arg35[%swap3A_72], %broadcast_in_dim3A_4 {strides = array<i32>} : memref<112xf32, #tpu.memory_space<vmem>>, vector<16xf32>,
    %swap3A_74 = arith.constant 80 : index
    %swap3A_75 = tpu.vector_load %arg36[%swap3A_74] {strides = array<i32>} : memref<112xf32, #tpu.memory_space<vmem>>, vector<16xf32>,
    tpu.vector_store %arg36[%swap3A_74], %broadcast_in_dim3A_4 {strides = array<i32>} : memref<112xf32, #tpu.memory_space<vmem>>, vector<16xf32>,
    %swap3A_76 = arith.constant 80 : index
    %swap3A_77 = tpu.vector_load %arg37[%swap3A_76] {strides = array<i32>} : memref<112xf32, #tpu.memory_space<vmem>>, vector<16xf32>,
    tpu.vector_store %arg37[%swap3A_76], %broadcast_in_dim3A_4 {strides = array<i32>} : memref<112xf32, #tpu.memory_space<vmem>>, vector<16xf32>,
    %swap3A_78 = arith.constant 96 : index
    %swap3A_79 = tpu.vector_load %arg32[%swap3A_78] {strides = array<i32>} : memref<112xf32, #tpu.memory_space<vmem>>, vector<16xf32>,
    tpu.vector_store %arg32[%swap3A_78], %broadcast_in_dim3A_4 {strides = array<i32>} : memref<112xf32, #tpu.memory_space<vmem>>, vector<16xf32>,
    %swap3A_80 = arith.constant 96 : index
    %swap3A_81 = tpu.vector_load %arg33[%swap3A_80] {strides = array<i32>} : memref<112xf32, #tpu.memory_space<vmem>>, vector<16xf32>,
    tpu.vector_store %arg33[%swap3A_80], %broadcast_in_dim3A_4 {strides = array<i32>} : memref<112xf32, #tpu.memory_space<vmem>>, vector<16xf32>,
    %swap3A_82 = arith.constant 96 : index
    %swap3A_83 = tpu.vector_load %arg34[%swap3A_82] {strides = array<i32>} : memref<112xf32, #tpu.memory_space<vmem>>, vector<16xf32>,
    tpu.vector_store %arg34[%swap3A_82], %broadcast_in_dim3A_4 {strides = array<i32>} : memref<112xf32, #tpu.memory_space<vmem>>, vector<16xf32>,
    %swap3A_84 = arith.constant 96 : index
    %swap3A_85 = tpu.vector_load %arg35[%swap3A_84] {strides = array<i32>} : memref<112xf32, #tpu.memory_space<vmem>>, vector<16xf32>,
    tpu.vector_store %arg35[%swap3A_84], %broadcast_in_dim3A_4 {strides = array<i32>} : memref<112xf32, #tpu.memory_space<vmem>>, vector<16xf32>,
    %swap3A_86 = arith.constant 96 : index
    %swap3A_87 = tpu.vector_load %arg36[%swap3A_86] {strides = array<i32>} : memref<112xf32, #tpu.memory_space<vmem>>, vector<16xf32>,
    tpu.vector_store %arg36[%swap3A_86], %broadcast_in_dim3A_4 {strides = array<i32>} : memref<112xf32, #tpu.memory_space<vmem>>, vector<16xf32>,
    %swap3A_88 = arith.constant 96 : index
    %swap3A_89 = tpu.vector_load %arg37[%swap3A_88] {strides = array<i32>} : memref<112xf32, #tpu.memory_space<vmem>>, vector<16xf32>,
    tpu.vector_store %arg37[%swap3A_88], %broadcast_in_dim3A_4 {strides = array<i32>} : memref<112xf32, #tpu.memory_space<vmem>>, vector<16xf32>,
    %swap3A_90 = arith.constant 0 : index
    %swap3A_91 = tpu.vector_load %arg38[%swap3A_90] {strides = array<i32>} : memref<128xi32, #tpu.memory_space<vmem>>, vector<16xi32>,
    tpu.vector_store %arg38[%swap3A_90], %broadcast_in_dim3A_6 {strides = array<i32>} : memref<128xi32, #tpu.memory_space<vmem>>, vector<16xi32>,
    %swap3A_92 = arith.constant 16 : index
    %swap3A_93 = tpu.vector_load %arg38[%swap3A_92] {strides = array<i32>} : memref<128xi32, #tpu.memory_space<vmem>>, vector<16xi32>,
    tpu.vector_store %arg38[%swap3A_92], %broadcast_in_dim3A_6 {strides = array<i32>} : memref<128xi32, #tpu.memory_space<vmem>>, vector<16xi32>,
    %swap3A_94 = arith.constant 32 : index
    %swap3A_95 = tpu.vector_load %arg38[%swap3A_94] {strides = array<i32>} : memref<128xi32, #tpu.memory_space<vmem>>, vector<16xi32>,
    tpu.vector_store %arg38[%swap3A_94], %broadcast_in_dim3A_6 {strides = array<i32>} : memref<128xi32, #tpu.memory_space<vmem>>, vector<16xi32>,
    %swap3A_96 = arith.constant 48 : index
    %swap3A_97 = tpu.vector_load %arg38[%swap3A_96] {strides = array<i32>} : memref<128xi32, #tpu.memory_space<vmem>>, vector<16xi32>,
    tpu.vector_store %arg38[%swap3A_96], %broadcast_in_dim3A_6 {strides = array<i32>} : memref<128xi32, #tpu.memory_space<vmem>>, vector<16xi32>,
    %swap3A_98 = arith.constant 64 : index
    %swap3A_99 = tpu.vector_load %arg38[%swap3A_98] {strides = array<i32>} : memref<128xi32, #tpu.memory_space<vmem>>, vector<16xi32>,
    tpu.vector_store %arg38[%swap3A_98], %broadcast_in_dim3A_6 {strides = array<i32>} : memref<128xi32, #tpu.memory_space<vmem>>, vector<16xi32>,
    %swap3A_100 = arith.constant 80 : index
    %swap3A_101 = tpu.vector_load %arg38[%swap3A_100] {strides = array<i32>} : memref<128xi32, #tpu.memory_space<vmem>>, vector<16xi32>,
    tpu.vector_store %arg38[%swap3A_100], %broadcast_in_dim3A_6 {strides = array<i32>} : memref<128xi32, #tpu.memory_space<vmem>>, vector<16xi32>,
    %swap3A_102 = arith.constant 96 : index
    %swap3A_103 = tpu.vector_load %arg38[%swap3A_102] {strides = array<i32>} : memref<128xi32, #tpu.memory_space<vmem>>, vector<16xi32>,
    tpu.vector_store %arg38[%swap3A_102], %broadcast_in_dim3A_6 {strides = array<i32>} : memref<128xi32, #tpu.memory_space<vmem>>, vector<16xi32>,
    %swap3A_104 = arith.constant 112 : index
    %swap3A_105 = tpu.vector_load %arg38[%swap3A_104] {strides = array<i32>} : memref<128xi32, #tpu.memory_space<vmem>>, vector<16xi32>,
    tpu.vector_store %arg38[%swap3A_104], %broadcast_in_dim3A_6 {strides = array<i32>} : memref<128xi32, #tpu.memory_space<vmem>>, vector<16xi32>,
    %iota3A = tpu.iota {dimensions = array<i32: 0>} : vector<16xi32>
    %eq3A_106 = arith.constant 0 : i32
    %eq3A_107 = vector.broadcast %eq3A_106 : i32 to vector<16xi32>
    %eq3A_108 = arith.cmpi eq, %iota3A, %eq3A_107 : vector<16xi32>
    %jit3A = arith.constant 0 : i32
    %jit3A_109 = arith.constant 100 : i32
    %select_n3A = arith.select %and3A, %jit3A, %jit3A_109 : i32
    %scan3A = arith.constant 0 : i32
    %scan3A_110 = arith.constant 0 : i32
    %scan3A_111 = arith.constant 40 : i32
    %scan3A_112 = arith.addi %scan3A_110, %scan3A_111 : i32
    %scan3A_113 = arith.constant 1 : i32
    %scan3A_114:2 = scf.for %scan3A_126 = %scan3A_110 to %scan3A_112 step %scan3A_113 iter_args(%scan3A_127 = %select_n3A, %scan3A_128 = %scan3A) -> (i32, i32)  : i32 {
      %lt3A = arith.constant 100 : i32
      %lt3A_129 = arith.cmpi slt, %scan3A_127, %lt3A : i32
      %convert_element_type3A_130 = arith.extui %lt3A_129 : i1 to i32
      %cond3A_131 = arith.constant 0 : i32
      %cond3A_132 = arith.cmpi ne, %convert_element_type3A_130, %cond3A_131 : i32
      %cond3A_133:2 = scf.if %cond3A_132 -> (i32, i32) {
        %mul3A = arith.constant 8 : i32
        %mul3A_134 = arith.muli %scan3A_126, %mul3A : i32
        %add3A = arith.constant 1 : i32
        %add3A_135 = arith.addi %scan3A_126, %add3A : i32
        %mul3A_136 = arith.constant 8 : i32
        %mul3A_137 = arith.muli %add3A_135, %mul3A_136 : i32
        %while3A = arith.constant 0 : i32
        %while3A_138 = arith.subi %mul3A_137, %mul3A_134 : i32
        %while3A_139 = arith.addi %mul3A_134, %while3A_138 : i32
        %while3A_140 = arith.constant 1 : i32
        %while3A_141 = arith.divsi %while3A_138, %while3A_140 : i32
        %while3A_142 = arith.muli %while3A_141, %while3A_140 : i32
        %while3A_143 = arith.addi %mul3A_134, %while3A_142 : i32
        %while3A_144 = arith.constant 1 : i32
        scf.for %while3A_162 = %mul3A_134 to %while3A_143 step %while3A_144  : i32 {
          %mul3A_163 = arith.constant 16 : i32
          %mul3A_164 = arith.muli %while3A_162, %mul3A_163 : i32
          %get3A = arith.index_cast %mul3A_164 : i32 to index
          %get3A_165 = tpu.vector_load %arg25[%get3A] {strides = array<i32>} : memref<5120xi32, #tpu.memory_space<vmem>>, vector<16xi32>,
          %max3A = arith.constant 0 : i32
          %max3A_166 = vector.broadcast %max3A : i32 to vector<16xi32>
          %max3A_167 = arith.maxsi %get3A_165, %max3A_166 : vector<16xi32>
          %min3A = arith.constant 4999 : i32
          %min3A_168 = vector.broadcast %min3A : i32 to vector<16xi32>
          %min3A_169 = arith.minsi %max3A_167, %min3A_168 : vector<16xi32>
          %gather3A = tpu.vector_load_idx %arg17[%min3A_169] : memref<5120xf32, #tpu.memory_space<vmem>>[vector<16xi32>], vector<16xf32>,
          %gather3A_170 = tpu.vector_load_idx %arg18[%min3A_169] : memref<5120xf32, #tpu.memory_space<vmem>>[vector<16xi32>], vector<16xf32>,
          %gather3A_171 = tpu.vector_load_idx %arg19[%min3A_169] : memref<5120xf32, #tpu.memory_space<vmem>>[vector<16xi32>], vector<16xf32>,
          %gather3A_172 = tpu.vector_load_idx %arg20[%min3A_169] : memref<5120xf32, #tpu.memory_space<vmem>>[vector<16xi32>], vector<16xf32>,
          %sub3A = arith.subf %gather3A_171, %gather3A : vector<16xf32>
          %sub3A_173 = arith.subf %gather3A_172, %gather3A_170 : vector<16xf32>
          %mul3A_174 = arith.constant 5.000000e-01 : f32
          %mul3A_175 = vector.broadcast %mul3A_174 : f32 to vector<16xf32>
          %mul3A_176 = arith.mulf %mul3A_175, %sub3A : vector<16xf32>
          %add3A_177 = arith.addf %gather3A, %mul3A_176 : vector<16xf32>
          %mul3A_178 = arith.constant 5.000000e-01 : f32
          %mul3A_179 = vector.broadcast %mul3A_178 : f32 to vector<16xf32>
          %mul3A_180 = arith.mulf %mul3A_179, %sub3A_173 : vector<16xf32>
          %add3A_181 = arith.addf %gather3A_170, %mul3A_180 : vector<16xf32>
          %gather3A_182 = tpu.vector_load_idx %arg23[%min3A_169] : memref<5120xf32, #tpu.memory_space<vmem>>[vector<16xi32>], vector<16xf32>,
          %min3A_183 = arith.constant 4.000000e+00 : f32
          %min3A_184 = vector.broadcast %min3A_183 : f32 to vector<16xf32>
          %min3A_185 = arith.minimumf %gather3A_182, %min3A_184 : vector<16xf32>
          %gather3A_186 = tpu.vector_load_idx %arg24[%min3A_169] : memref<5120xf32, #tpu.memory_space<vmem>>[vector<16xi32>], vector<16xf32>,
          %min3A_187 = arith.constant 4.000000e+00 : f32
          %min3A_188 = vector.broadcast %min3A_187 : f32 to vector<16xf32>
          %min3A_189 = arith.minimumf %gather3A_186, %min3A_188 : vector<16xf32>
          %gather3A_190 = tpu.vector_load_idx %arg21[%min3A_169] : memref<5120xf32, #tpu.memory_space<vmem>>[vector<16xi32>], vector<16xf32>,
          %mul3A_191 = arith.mulf %gather3A_190, %sub3A : vector<16xf32>
          %add3A_192 = arith.addf %mul3A_191, %add3A_177 : vector<16xf32>
          %gather3A_193 = tpu.vector_load_idx %arg22[%min3A_169] : memref<5120xf32, #tpu.memory_space<vmem>>[vector<16xi32>], vector<16xf32>,
          %mul3A_194 = arith.mulf %gather3A_193, %sub3A_173 : vector<16xf32>
          %add3A_195 = arith.addf %mul3A_194, %add3A_181 : vector<16xf32>
          %exp3A = math.exp %min3A_185 : vector<16xf32>
          %mul3A_196 = arith.mulf %exp3A, %sub3A : vector<16xf32>
          %exp3A_197 = math.exp %min3A_189 : vector<16xf32>
          %mul3A_198 = arith.mulf %exp3A_197, %sub3A_173 : vector<16xf32>
          %mul3A_199 = arith.constant 5.000000e-01 : f32
          %mul3A_200 = vector.broadcast %mul3A_199 : f32 to vector<16xf32>
          %mul3A_201 = arith.mulf %mul3A_200, %mul3A_196 : vector<16xf32>
          %sub3A_202 = arith.subf %add3A_192, %mul3A_201 : vector<16xf32>
          %max3A_203 = arith.constant 0.000000e+00 : f32
          %max3A_204 = vector.broadcast %max3A_203 : f32 to vector<16xf32>
          %max3A_205 = arith.maximumf %sub3A_202, %max3A_204 : vector<16xf32>
          %min3A_206 = arith.constant 1.024000e+03 : f32
          %min3A_207 = vector.broadcast %min3A_206 : f32 to vector<16xf32>
          %min3A_208 = arith.minimumf %max3A_205, %min3A_207 : vector<16xf32>
          %mul3A_209 = arith.constant 5.000000e-01 : f32
          %mul3A_210 = vector.broadcast %mul3A_209 : f32 to vector<16xf32>
          %mul3A_211 = arith.mulf %mul3A_210, %mul3A_198 : vector<16xf32>
          %sub3A_212 = arith.subf %add3A_195, %mul3A_211 : vector<16xf32>
          %max3A_213 = arith.constant 0.000000e+00 : f32
          %max3A_214 = vector.broadcast %max3A_213 : f32 to vector<16xf32>
          %max3A_215 = arith.maximumf %sub3A_212, %max3A_214 : vector<16xf32>
          %min3A_216 = arith.constant 1.024000e+03 : f32
          %min3A_217 = vector.broadcast %min3A_216 : f32 to vector<16xf32>
          %min3A_218 = arith.minimumf %max3A_215, %min3A_217 : vector<16xf32>
          %mul3A_219 = arith.constant 5.000000e-01 : f32
          %mul3A_220 = vector.broadcast %mul3A_219 : f32 to vector<16xf32>
          %mul3A_221 = arith.mulf %mul3A_220, %mul3A_196 : vector<16xf32>
          %add3A_222 = arith.addf %add3A_192, %mul3A_221 : vector<16xf32>
          %max3A_223 = arith.constant 0.000000e+00 : f32
          %max3A_224 = vector.broadcast %max3A_223 : f32 to vector<16xf32>
          %max3A_225 = arith.maximumf %add3A_222, %max3A_224 : vector<16xf32>
          %min3A_226 = arith.constant 1.024000e+03 : f32
          %min3A_227 = vector.broadcast %min3A_226 : f32 to vector<16xf32>
          %min3A_228 = arith.minimumf %max3A_225, %min3A_227 : vector<16xf32>
          %mul3A_229 = arith.constant 5.000000e-01 : f32
          %mul3A_230 = vector.broadcast %mul3A_229 : f32 to vector<16xf32>
          %mul3A_231 = arith.mulf %mul3A_230, %mul3A_198 : vector<16xf32>
          %add3A_232 = arith.addf %add3A_195, %mul3A_231 : vector<16xf32>
          %max3A_233 = arith.constant 0.000000e+00 : f32
          %max3A_234 = vector.broadcast %max3A_233 : f32 to vector<16xf32>
          %max3A_235 = arith.maximumf %add3A_232, %max3A_234 : vector<16xf32>
          %min3A_236 = arith.constant 1.024000e+03 : f32
          %min3A_237 = vector.broadcast %min3A_236 : f32 to vector<16xf32>
          %min3A_238 = arith.minimumf %max3A_235, %min3A_237 : vector<16xf32>
          %swap3A_239 = arith.index_cast %mul3A_164 : i32 to index
          %swap3A_240 = tpu.vector_load %arg27[%swap3A_239] {strides = array<i32>} : memref<5120xf32, #tpu.memory_space<vmem>>, vector<16xf32>,
          tpu.vector_store %arg27[%swap3A_239], %min3A_208 {strides = array<i32>} : memref<5120xf32, #tpu.memory_space<vmem>>, vector<16xf32>,
          %swap3A_241 = arith.index_cast %mul3A_164 : i32 to index
          %swap3A_242 = tpu.vector_load %arg28[%swap3A_241] {strides = array<i32>} : memref<5120xf32, #tpu.memory_space<vmem>>, vector<16xf32>,
          tpu.vector_store %arg28[%swap3A_241], %min3A_218 {strides = array<i32>} : memref<5120xf32, #tpu.memory_space<vmem>>, vector<16xf32>,
          %swap3A_243 = arith.index_cast %mul3A_164 : i32 to index
          %swap3A_244 = tpu.vector_load %arg29[%swap3A_243] {strides = array<i32>} : memref<5120xf32, #tpu.memory_space<vmem>>, vector<16xf32>,
          tpu.vector_store %arg29[%swap3A_243], %min3A_228 {strides = array<i32>} : memref<5120xf32, #tpu.memory_space<vmem>>, vector<16xf32>,
          %swap3A_245 = arith.index_cast %mul3A_164 : i32 to index
          %swap3A_246 = tpu.vector_load %arg30[%swap3A_245] {strides = array<i32>} : memref<5120xf32, #tpu.memory_space<vmem>>, vector<16xf32>,
          tpu.vector_store %arg30[%swap3A_245], %min3A_238 {strides = array<i32>} : memref<5120xf32, #tpu.memory_space<vmem>>, vector<16xf32>,
          %sub3A_247 = arith.subf %min3A_228, %min3A_208 : vector<16xf32>
          %sub3A_248 = arith.subf %min3A_238, %min3A_218 : vector<16xf32>
          %mul3A_249 = arith.mulf %sub3A_247, %sub3A_248 : vector<16xf32>
          %swap3A_250 = arith.index_cast %mul3A_164 : i32 to index
          %swap3A_251 = tpu.vector_load %arg31[%swap3A_250] {strides = array<i32>} : memref<5120xf32, #tpu.memory_space<vmem>>, vector<16xf32>,
          tpu.vector_store %arg31[%swap3A_250], %mul3A_249 {strides = array<i32>} : memref<5120xf32, #tpu.memory_space<vmem>>, vector<16xf32>,
        }
        %while3A_145 = arith.constant 1 : i32
        scf.for %while3A_162 = %while3A_143 to %while3A_139 step %while3A_145  : i32 {
          %mul3A_163 = arith.constant 16 : i32
          %mul3A_164 = arith.muli %while3A_162, %mul3A_163 : i32
          %get3A = arith.index_cast %mul3A_164 : i32 to index
          %get3A_165 = tpu.vector_load %arg25[%get3A] {strides = array<i32>} : memref<5120xi32, #tpu.memory_space<vmem>>, vector<16xi32>,
          %max3A = arith.constant 0 : i32
          %max3A_166 = vector.broadcast %max3A : i32 to vector<16xi32>
          %max3A_167 = arith.maxsi %get3A_165, %max3A_166 : vector<16xi32>
          %min3A = arith.constant 4999 : i32
          %min3A_168 = vector.broadcast %min3A : i32 to vector<16xi32>
          %min3A_169 = arith.minsi %max3A_167, %min3A_168 : vector<16xi32>
          %gather3A = tpu.vector_load_idx %arg17[%min3A_169] : memref<5120xf32, #tpu.memory_space<vmem>>[vector<16xi32>], vector<16xf32>,
          %gather3A_170 = tpu.vector_load_idx %arg18[%min3A_169] : memref<5120xf32, #tpu.memory_space<vmem>>[vector<16xi32>], vector<16xf32>,
          %gather3A_171 = tpu.vector_load_idx %arg19[%min3A_169] : memref<5120xf32, #tpu.memory_space<vmem>>[vector<16xi32>], vector<16xf32>,
          %gather3A_172 = tpu.vector_load_idx %arg20[%min3A_169] : memref<5120xf32, #tpu.memory_space<vmem>>[vector<16xi32>], vector<16xf32>,
          %sub3A = arith.subf %gather3A_171, %gather3A : vector<16xf32>
          %sub3A_173 = arith.subf %gather3A_172, %gather3A_170 : vector<16xf32>
          %mul3A_174 = arith.constant 5.000000e-01 : f32
          %mul3A_175 = vector.broadcast %mul3A_174 : f32 to vector<16xf32>
          %mul3A_176 = arith.mulf %mul3A_175, %sub3A : vector<16xf32>
          %add3A_177 = arith.addf %gather3A, %mul3A_176 : vector<16xf32>
          %mul3A_178 = arith.constant 5.000000e-01 : f32
          %mul3A_179 = vector.broadcast %mul3A_178 : f32 to vector<16xf32>
          %mul3A_180 = arith.mulf %mul3A_179, %sub3A_173 : vector<16xf32>
          %add3A_181 = arith.addf %gather3A_170, %mul3A_180 : vector<16xf32>
          %gather3A_182 = tpu.vector_load_idx %arg23[%min3A_169] : memref<5120xf32, #tpu.memory_space<vmem>>[vector<16xi32>], vector<16xf32>,
          %min3A_183 = arith.constant 4.000000e+00 : f32
          %min3A_184 = vector.broadcast %min3A_183 : f32 to vector<16xf32>
          %min3A_185 = arith.minimumf %gather3A_182, %min3A_184 : vector<16xf32>
          %gather3A_186 = tpu.vector_load_idx %arg24[%min3A_169] : memref<5120xf32, #tpu.memory_space<vmem>>[vector<16xi32>], vector<16xf32>,
          %min3A_187 = arith.constant 4.000000e+00 : f32
          %min3A_188 = vector.broadcast %min3A_187 : f32 to vector<16xf32>
          %min3A_189 = arith.minimumf %gather3A_186, %min3A_188 : vector<16xf32>
          %gather3A_190 = tpu.vector_load_idx %arg21[%min3A_169] : memref<5120xf32, #tpu.memory_space<vmem>>[vector<16xi32>], vector<16xf32>,
          %mul3A_191 = arith.mulf %gather3A_190, %sub3A : vector<16xf32>
          %add3A_192 = arith.addf %mul3A_191, %add3A_177 : vector<16xf32>
          %gather3A_193 = tpu.vector_load_idx %arg22[%min3A_169] : memref<5120xf32, #tpu.memory_space<vmem>>[vector<16xi32>], vector<16xf32>,
          %mul3A_194 = arith.mulf %gather3A_193, %sub3A_173 : vector<16xf32>
          %add3A_195 = arith.addf %mul3A_194, %add3A_181 : vector<16xf32>
          %exp3A = math.exp %min3A_185 : vector<16xf32>
          %mul3A_196 = arith.mulf %exp3A, %sub3A : vector<16xf32>
          %exp3A_197 = math.exp %min3A_189 : vector<16xf32>
          %mul3A_198 = arith.mulf %exp3A_197, %sub3A_173 : vector<16xf32>
          %mul3A_199 = arith.constant 5.000000e-01 : f32
          %mul3A_200 = vector.broadcast %mul3A_199 : f32 to vector<16xf32>
          %mul3A_201 = arith.mulf %mul3A_200, %mul3A_196 : vector<16xf32>
          %sub3A_202 = arith.subf %add3A_192, %mul3A_201 : vector<16xf32>
          %max3A_203 = arith.constant 0.000000e+00 : f32
          %max3A_204 = vector.broadcast %max3A_203 : f32 to vector<16xf32>
          %max3A_205 = arith.maximumf %sub3A_202, %max3A_204 : vector<16xf32>
          %min3A_206 = arith.constant 1.024000e+03 : f32
          %min3A_207 = vector.broadcast %min3A_206 : f32 to vector<16xf32>
          %min3A_208 = arith.minimumf %max3A_205, %min3A_207 : vector<16xf32>
          %mul3A_209 = arith.constant 5.000000e-01 : f32
          %mul3A_210 = vector.broadcast %mul3A_209 : f32 to vector<16xf32>
          %mul3A_211 = arith.mulf %mul3A_210, %mul3A_198 : vector<16xf32>
          %sub3A_212 = arith.subf %add3A_195, %mul3A_211 : vector<16xf32>
          %max3A_213 = arith.constant 0.000000e+00 : f32
          %max3A_214 = vector.broadcast %max3A_213 : f32 to vector<16xf32>
          %max3A_215 = arith.maximumf %sub3A_212, %max3A_214 : vector<16xf32>
          %min3A_216 = arith.constant 1.024000e+03 : f32
          %min3A_217 = vector.broadcast %min3A_216 : f32 to vector<16xf32>
          %min3A_218 = arith.minimumf %max3A_215, %min3A_217 : vector<16xf32>
          %mul3A_219 = arith.constant 5.000000e-01 : f32
          %mul3A_220 = vector.broadcast %mul3A_219 : f32 to vector<16xf32>
          %mul3A_221 = arith.mulf %mul3A_220, %mul3A_196 : vector<16xf32>
          %add3A_222 = arith.addf %add3A_192, %mul3A_221 : vector<16xf32>
          %max3A_223 = arith.constant 0.000000e+00 : f32
          %max3A_224 = vector.broadcast %max3A_223 : f32 to vector<16xf32>
          %max3A_225 = arith.maximumf %add3A_222, %max3A_224 : vector<16xf32>
          %min3A_226 = arith.constant 1.024000e+03 : f32
          %min3A_227 = vector.broadcast %min3A_226 : f32 to vector<16xf32>
          %min3A_228 = arith.minimumf %max3A_225, %min3A_227 : vector<16xf32>
          %mul3A_229 = arith.constant 5.000000e-01 : f32
          %mul3A_230 = vector.broadcast %mul3A_229 : f32 to vector<16xf32>
          %mul3A_231 = arith.mulf %mul3A_230, %mul3A_198 : vector<16xf32>
          %add3A_232 = arith.addf %add3A_195, %mul3A_231 : vector<16xf32>
          %max3A_233 = arith.constant 0.000000e+00 : f32
          %max3A_234 = vector.broadcast %max3A_233 : f32 to vector<16xf32>
          %max3A_235 = arith.maximumf %add3A_232, %max3A_234 : vector<16xf32>
          %min3A_236 = arith.constant 1.024000e+03 : f32
          %min3A_237 = vector.broadcast %min3A_236 : f32 to vector<16xf32>
          %min3A_238 = arith.minimumf %max3A_235, %min3A_237 : vector<16xf32>
          %swap3A_239 = arith.index_cast %mul3A_164 : i32 to index
          %swap3A_240 = tpu.vector_load %arg27[%swap3A_239] {strides = array<i32>} : memref<5120xf32, #tpu.memory_space<vmem>>, vector<16xf32>,
          tpu.vector_store %arg27[%swap3A_239], %min3A_208 {strides = array<i32>} : memref<5120xf32, #tpu.memory_space<vmem>>, vector<16xf32>,
          %swap3A_241 = arith.index_cast %mul3A_164 : i32 to index
          %swap3A_242 = tpu.vector_load %arg28[%swap3A_241] {strides = array<i32>} : memref<5120xf32, #tpu.memory_space<vmem>>, vector<16xf32>,
          tpu.vector_store %arg28[%swap3A_241], %min3A_218 {strides = array<i32>} : memref<5120xf32, #tpu.memory_space<vmem>>, vector<16xf32>,
          %swap3A_243 = arith.index_cast %mul3A_164 : i32 to index
          %swap3A_244 = tpu.vector_load %arg29[%swap3A_243] {strides = array<i32>} : memref<5120xf32, #tpu.memory_space<vmem>>, vector<16xf32>,
          tpu.vector_store %arg29[%swap3A_243], %min3A_228 {strides = array<i32>} : memref<5120xf32, #tpu.memory_space<vmem>>, vector<16xf32>,
          %swap3A_245 = arith.index_cast %mul3A_164 : i32 to index
          %swap3A_246 = tpu.vector_load %arg30[%swap3A_245] {strides = array<i32>} : memref<5120xf32, #tpu.memory_space<vmem>>, vector<16xf32>,
          tpu.vector_store %arg30[%swap3A_245], %min3A_238 {strides = array<i32>} : memref<5120xf32, #tpu.memory_space<vmem>>, vector<16xf32>,
          %sub3A_247 = arith.subf %min3A_228, %min3A_208 : vector<16xf32>
          %sub3A_248 = arith.subf %min3A_238, %min3A_218 : vector<16xf32>
          %mul3A_249 = arith.mulf %sub3A_247, %sub3A_248 : vector<16xf32>
          %swap3A_250 = arith.index_cast %mul3A_164 : i32 to index
          %swap3A_251 = tpu.vector_load %arg31[%swap3A_250] {strides = array<i32>} : memref<5120xf32, #tpu.memory_space<vmem>>, vector<16xf32>,
          tpu.vector_store %arg31[%swap3A_250], %mul3A_249 {strides = array<i32>} : memref<5120xf32, #tpu.memory_space<vmem>>, vector<16xf32>,
        }
        %mul3A_146 = arith.constant 128 : i32
        %mul3A_147 = arith.muli %scan3A_126, %mul3A_146 : i32
        %add3A_148 = arith.constant 1 : i32
        %add3A_149 = arith.addi %scan3A_126, %add3A_148 : i32
        %mul3A_150 = arith.constant 128 : i32
        %mul3A_151 = arith.muli %add3A_149, %mul3A_150 : i32
        %while3A_152 = arith.subi %mul3A_151, %mul3A_147 : i32
        %while3A_153 = arith.addi %mul3A_147, %while3A_152 : i32
        %while3A_154 = arith.constant 1 : i32
        %while3A_155 = arith.divsi %while3A_152, %while3A_154 : i32
        %while3A_156 = arith.muli %while3A_155, %while3A_154 : i32
        %while3A_157 = arith.addi %mul3A_147, %while3A_156 : i32
        %while3A_158 = arith.constant 1 : i32
        %while3A_159:2 = scf.for %while3A_162 = %mul3A_147 to %while3A_157 step %while3A_158 iter_args(%while3A_163 = %scan3A_127, %while3A_164 = %scan3A_128) -> (i32, i32)  : i32 {
          %broadcast_in_dim3A_165 = vector.broadcast %while3A_162 : i32 to vector<16xi32>
          %gather3A = tpu.vector_load_idx %arg26[%broadcast_in_dim3A_165] : memref<5120xf32, #tpu.memory_space<vmem>>[vector<16xi32>], vector<16xf32>,
          %broadcast_in_dim3A_166 = vector.broadcast %while3A_162 : i32 to vector<16xi32>
          %gather3A_167 = tpu.vector_load_idx %arg27[%broadcast_in_dim3A_166] : memref<5120xf32, #tpu.memory_space<vmem>>[vector<16xi32>], vector<16xf32>,
          %broadcast_in_dim3A_168 = vector.broadcast %while3A_162 : i32 to vector<16xi32>
          %gather3A_169 = tpu.vector_load_idx %arg28[%broadcast_in_dim3A_168] : memref<5120xf32, #tpu.memory_space<vmem>>[vector<16xi32>], vector<16xf32>,
          %broadcast_in_dim3A_170 = vector.broadcast %while3A_162 : i32 to vector<16xi32>
          %gather3A_171 = tpu.vector_load_idx %arg29[%broadcast_in_dim3A_170] : memref<5120xf32, #tpu.memory_space<vmem>>[vector<16xi32>], vector<16xf32>,
          %broadcast_in_dim3A_172 = vector.broadcast %while3A_162 : i32 to vector<16xi32>
          %gather3A_173 = tpu.vector_load_idx %arg30[%broadcast_in_dim3A_172] : memref<5120xf32, #tpu.memory_space<vmem>>[vector<16xi32>], vector<16xf32>,
          %broadcast_in_dim3A_174 = vector.broadcast %while3A_162 : i32 to vector<16xi32>
          %gather3A_175 = tpu.vector_load_idx %arg31[%broadcast_in_dim3A_174] : memref<5120xf32, #tpu.memory_space<vmem>>[vector<16xi32>], vector<16xf32>,
          %le3A = arith.constant 32 : i32
          %le3A_176 = arith.cmpi sle, %while3A_163, %le3A : i32
          %convert_element_type3A_177 = arith.extui %le3A_176 : i1 to i32
          %cond3A_178 = arith.constant 0 : i32
          %cond3A_179 = arith.constant 0 : i32
          %cond3A_180 = arith.cmpi ne, %convert_element_type3A_177, %cond3A_179 : i32
          %cond3A_181 = scf.if %cond3A_180 -> (vector<16xf32>) {
            %broadcast_in_dim3A_239 = arith.constant 0.000000e+00 : f32
            %broadcast_in_dim3A_240 = vector.broadcast %broadcast_in_dim3A_239 : f32 to vector<16xf32>
            %get3A = arith.constant 0 : index
            %get3A_241 = tpu.vector_load %arg32[%get3A] {strides = array<i32>} : memref<112xf32, #tpu.memory_space<vmem>>, vector<16xf32>,
            %max3A = arith.maximumf %gather3A_167, %get3A_241 : vector<16xf32>
            %get3A_242 = arith.constant 0 : index
            %get3A_243 = tpu.vector_load %arg33[%get3A_242] {strides = array<i32>} : memref<112xf32, #tpu.memory_space<vmem>>, vector<16xf32>,
            %max3A_244 = arith.maximumf %gather3A_169, %get3A_243 : vector<16xf32>
            %get3A_245 = arith.constant 0 : index
            %get3A_246 = tpu.vector_load %arg34[%get3A_245] {strides = array<i32>} : memref<112xf32, #tpu.memory_space<vmem>>, vector<16xf32>,
            %min3A = arith.minimumf %gather3A_171, %get3A_246 : vector<16xf32>
            %get3A_247 = arith.constant 0 : index
            %get3A_248 = tpu.vector_load %arg35[%get3A_247] {strides = array<i32>} : memref<112xf32, #tpu.memory_space<vmem>>, vector<16xf32>,
            %min3A_249 = arith.minimumf %gather3A_173, %get3A_248 : vector<16xf32>
            %sub3A = arith.subf %min3A, %max3A : vector<16xf32>
            %max3A_250 = arith.constant 0.000000e+00 : f32
            %max3A_251 = vector.broadcast %max3A_250 : f32 to vector<16xf32>
            %max3A_252 = arith.maximumf %sub3A, %max3A_251 : vector<16xf32>
            %sub3A_253 = arith.subf %min3A_249, %max3A_244 : vector<16xf32>
            %max3A_254 = arith.constant 0.000000e+00 : f32
            %max3A_255 = vector.broadcast %max3A_254 : f32 to vector<16xf32>
            %max3A_256 = arith.maximumf %sub3A_253, %max3A_255 : vector<16xf32>
            %mul3A_257 = arith.mulf %max3A_252, %max3A_256 : vector<16xf32>
            %get3A_258 = arith.constant 0 : index
            %get3A_259 = tpu.vector_load %arg36[%get3A_258] {strides = array<i32>} : memref<112xf32, #tpu.memory_space<vmem>>, vector<16xf32>,
            %add3A_260 = arith.addf %gather3A_175, %get3A_259 : vector<16xf32>
            %sub3A_261 = arith.subf %add3A_260, %mul3A_257 : vector<16xf32>
            %add3A_262 = arith.constant 9.99999971E-10 : f32
            %add3A_263 = vector.broadcast %add3A_262 : f32 to vector<16xf32>
            %add3A_264 = arith.addf %sub3A_261, %add3A_263 : vector<16xf32>
            %div3A = arith.divf %mul3A_257, %add3A_264 : vector<16xf32>
            %max3A_265 = arith.maximumf %broadcast_in_dim3A_240, %div3A : vector<16xf32>
            %get3A_266 = arith.constant 16 : index
            %get3A_267 = tpu.vector_load %arg32[%get3A_266] {strides = array<i32>} : memref<112xf32, #tpu.memory_space<vmem>>, vector<16xf32>,
            %max3A_268 = arith.maximumf %gather3A_167, %get3A_267 : vector<16xf32>
            %get3A_269 = arith.constant 16 : index
            %get3A_270 = tpu.vector_load %arg33[%get3A_269] {strides = array<i32>} : memref<112xf32, #tpu.memory_space<vmem>>, vector<16xf32>,
            %max3A_271 = arith.maximumf %gather3A_169, %get3A_270 : vector<16xf32>
            %get3A_272 = arith.constant 16 : index
            %get3A_273 = tpu.vector_load %arg34[%get3A_272] {strides = array<i32>} : memref<112xf32, #tpu.memory_space<vmem>>, vector<16xf32>,
            %min3A_274 = arith.minimumf %gather3A_171, %get3A_273 : vector<16xf32>
            %get3A_275 = arith.constant 16 : index
            %get3A_276 = tpu.vector_load %arg35[%get3A_275] {strides = array<i32>} : memref<112xf32, #tpu.memory_space<vmem>>, vector<16xf32>,
            %min3A_277 = arith.minimumf %gather3A_173, %get3A_276 : vector<16xf32>
            %sub3A_278 = arith.subf %min3A_274, %max3A_268 : vector<16xf32>
            %max3A_279 = arith.constant 0.000000e+00 : f32
            %max3A_280 = vector.broadcast %max3A_279 : f32 to vector<16xf32>
            %max3A_281 = arith.maximumf %sub3A_278, %max3A_280 : vector<16xf32>
            %sub3A_282 = arith.subf %min3A_277, %max3A_271 : vector<16xf32>
            %max3A_283 = arith.constant 0.000000e+00 : f32
            %max3A_284 = vector.broadcast %max3A_283 : f32 to vector<16xf32>
            %max3A_285 = arith.maximumf %sub3A_282, %max3A_284 : vector<16xf32>
            %mul3A_286 = arith.mulf %max3A_281, %max3A_285 : vector<16xf32>
            %get3A_287 = arith.constant 16 : index
            %get3A_288 = tpu.vector_load %arg36[%get3A_287] {strides = array<i32>} : memref<112xf32, #tpu.memory_space<vmem>>, vector<16xf32>,
            %add3A_289 = arith.addf %gather3A_175, %get3A_288 : vector<16xf32>
            %sub3A_290 = arith.subf %add3A_289, %mul3A_286 : vector<16xf32>
            %add3A_291 = arith.constant 9.99999971E-10 : f32
            %add3A_292 = vector.broadcast %add3A_291 : f32 to vector<16xf32>
            %add3A_293 = arith.addf %sub3A_290, %add3A_292 : vector<16xf32>
            %div3A_294 = arith.divf %mul3A_286, %add3A_293 : vector<16xf32>
            %max3A_295 = arith.maximumf %max3A_265, %div3A_294 : vector<16xf32>
            scf.yield %max3A_295 : vector<16xf32>
          } else {
            %broadcast_in_dim3A_239 = arith.constant 0.000000e+00 : f32
            %broadcast_in_dim3A_240 = vector.broadcast %broadcast_in_dim3A_239 : f32 to vector<16xf32>
            %get3A = arith.constant 0 : index
            %get3A_241 = tpu.vector_load %arg32[%get3A] {strides = array<i32>} : memref<112xf32, #tpu.memory_space<vmem>>, vector<16xf32>,
            %max3A = arith.maximumf %gather3A_167, %get3A_241 : vector<16xf32>
            %get3A_242 = arith.constant 0 : index
            %get3A_243 = tpu.vector_load %arg33[%get3A_242] {strides = array<i32>} : memref<112xf32, #tpu.memory_space<vmem>>, vector<16xf32>,
            %max3A_244 = arith.maximumf %gather3A_169, %get3A_243 : vector<16xf32>
            %get3A_245 = arith.constant 0 : index
            %get3A_246 = tpu.vector_load %arg34[%get3A_245] {strides = array<i32>} : memref<112xf32, #tpu.memory_space<vmem>>, vector<16xf32>,
            %min3A = arith.minimumf %gather3A_171, %get3A_246 : vector<16xf32>
            %get3A_247 = arith.constant 0 : index
            %get3A_248 = tpu.vector_load %arg35[%get3A_247] {strides = array<i32>} : memref<112xf32, #tpu.memory_space<vmem>>, vector<16xf32>,
            %min3A_249 = arith.minimumf %gather3A_173, %get3A_248 : vector<16xf32>
            %sub3A = arith.subf %min3A, %max3A : vector<16xf32>
            %max3A_250 = arith.constant 0.000000e+00 : f32
            %max3A_251 = vector.broadcast %max3A_250 : f32 to vector<16xf32>
            %max3A_252 = arith.maximumf %sub3A, %max3A_251 : vector<16xf32>
            %sub3A_253 = arith.subf %min3A_249, %max3A_244 : vector<16xf32>
            %max3A_254 = arith.constant 0.000000e+00 : f32
            %max3A_255 = vector.broadcast %max3A_254 : f32 to vector<16xf32>
            %max3A_256 = arith.maximumf %sub3A_253, %max3A_255 : vector<16xf32>
            %mul3A_257 = arith.mulf %max3A_252, %max3A_256 : vector<16xf32>
            %get3A_258 = arith.constant 0 : index
            %get3A_259 = tpu.vector_load %arg36[%get3A_258] {strides = array<i32>} : memref<112xf32, #tpu.memory_space<vmem>>, vector<16xf32>,
            %add3A_260 = arith.addf %gather3A_175, %get3A_259 : vector<16xf32>
            %sub3A_261 = arith.subf %add3A_260, %mul3A_257 : vector<16xf32>
            %add3A_262 = arith.constant 9.99999971E-10 : f32
            %add3A_263 = vector.broadcast %add3A_262 : f32 to vector<16xf32>
            %add3A_264 = arith.addf %sub3A_261, %add3A_263 : vector<16xf32>
            %div3A = arith.divf %mul3A_257, %add3A_264 : vector<16xf32>
            %max3A_265 = arith.maximumf %broadcast_in_dim3A_240, %div3A : vector<16xf32>
            %get3A_266 = arith.constant 16 : index
            %get3A_267 = tpu.vector_load %arg32[%get3A_266] {strides = array<i32>} : memref<112xf32, #tpu.memory_space<vmem>>, vector<16xf32>,
            %max3A_268 = arith.maximumf %gather3A_167, %get3A_267 : vector<16xf32>
            %get3A_269 = arith.constant 16 : index
            %get3A_270 = tpu.vector_load %arg33[%get3A_269] {strides = array<i32>} : memref<112xf32, #tpu.memory_space<vmem>>, vector<16xf32>,
            %max3A_271 = arith.maximumf %gather3A_169, %get3A_270 : vector<16xf32>
            %get3A_272 = arith.constant 16 : index
            %get3A_273 = tpu.vector_load %arg34[%get3A_272] {strides = array<i32>} : memref<112xf32, #tpu.memory_space<vmem>>, vector<16xf32>,
            %min3A_274 = arith.minimumf %gather3A_171, %get3A_273 : vector<16xf32>
            %get3A_275 = arith.constant 16 : index
            %get3A_276 = tpu.vector_load %arg35[%get3A_275] {strides = array<i32>} : memref<112xf32, #tpu.memory_space<vmem>>, vector<16xf32>,
            %min3A_277 = arith.minimumf %gather3A_173, %get3A_276 : vector<16xf32>
            %sub3A_278 = arith.subf %min3A_274, %max3A_268 : vector<16xf32>
            %max3A_279 = arith.constant 0.000000e+00 : f32
            %max3A_280 = vector.broadcast %max3A_279 : f32 to vector<16xf32>
            %max3A_281 = arith.maximumf %sub3A_278, %max3A_280 : vector<16xf32>
            %sub3A_282 = arith.subf %min3A_277, %max3A_271 : vector<16xf32>
            %max3A_283 = arith.constant 0.000000e+00 : f32
            %max3A_284 = vector.broadcast %max3A_283 : f32 to vector<16xf32>
            %max3A_285 = arith.maximumf %sub3A_282, %max3A_284 : vector<16xf32>
            %mul3A_286 = arith.mulf %max3A_281, %max3A_285 : vector<16xf32>
            %get3A_287 = arith.constant 16 : index
            %get3A_288 = tpu.vector_load %arg36[%get3A_287] {strides = array<i32>} : memref<112xf32, #tpu.memory_space<vmem>>, vector<16xf32>,
            %add3A_289 = arith.addf %gather3A_175, %get3A_288 : vector<16xf32>
            %sub3A_290 = arith.subf %add3A_289, %mul3A_286 : vector<16xf32>
            %add3A_291 = arith.constant 9.99999971E-10 : f32
            %add3A_292 = vector.broadcast %add3A_291 : f32 to vector<16xf32>
            %add3A_293 = arith.addf %sub3A_290, %add3A_292 : vector<16xf32>
            %div3A_294 = arith.divf %mul3A_286, %add3A_293 : vector<16xf32>
            %max3A_295 = arith.maximumf %max3A_265, %div3A_294 : vector<16xf32>
            %get3A_296 = arith.constant 32 : index
            %get3A_297 = tpu.vector_load %arg32[%get3A_296] {strides = array<i32>} : memref<112xf32, #tpu.memory_space<vmem>>, vector<16xf32>,
            %max3A_298 = arith.maximumf %gather3A_167, %get3A_297 : vector<16xf32>
            %get3A_299 = arith.constant 32 : index
            %get3A_300 = tpu.vector_load %arg33[%get3A_299] {strides = array<i32>} : memref<112xf32, #tpu.memory_space<vmem>>, vector<16xf32>,
            %max3A_301 = arith.maximumf %gather3A_169, %get3A_300 : vector<16xf32>
            %get3A_302 = arith.constant 32 : index
            %get3A_303 = tpu.vector_load %arg34[%get3A_302] {strides = array<i32>} : memref<112xf32, #tpu.memory_space<vmem>>, vector<16xf32>,
            %min3A_304 = arith.minimumf %gather3A_171, %get3A_303 : vector<16xf32>
            %get3A_305 = arith.constant 32 : index
            %get3A_306 = tpu.vector_load %arg35[%get3A_305] {strides = array<i32>} : memref<112xf32, #tpu.memory_space<vmem>>, vector<16xf32>,
            %min3A_307 = arith.minimumf %gather3A_173, %get3A_306 : vector<16xf32>
            %sub3A_308 = arith.subf %min3A_304, %max3A_298 : vector<16xf32>
            %max3A_309 = arith.constant 0.000000e+00 : f32
            %max3A_310 = vector.broadcast %max3A_309 : f32 to vector<16xf32>
            %max3A_311 = arith.maximumf %sub3A_308, %max3A_310 : vector<16xf32>
            %sub3A_312 = arith.subf %min3A_307, %max3A_301 : vector<16xf32>
            %max3A_313 = arith.constant 0.000000e+00 : f32
            %max3A_314 = vector.broadcast %max3A_313 : f32 to vector<16xf32>
            %max3A_315 = arith.maximumf %sub3A_312, %max3A_314 : vector<16xf32>
            %mul3A_316 = arith.mulf %max3A_311, %max3A_315 : vector<16xf32>
            %get3A_317 = arith.constant 32 : index
            %get3A_318 = tpu.vector_load %arg36[%get3A_317] {strides = array<i32>} : memref<112xf32, #tpu.memory_space<vmem>>, vector<16xf32>,
            %add3A_319 = arith.addf %gather3A_175, %get3A_318 : vector<16xf32>
            %sub3A_320 = arith.subf %add3A_319, %mul3A_316 : vector<16xf32>
            %add3A_321 = arith.constant 9.99999971E-10 : f32
            %add3A_322 = vector.broadcast %add3A_321 : f32 to vector<16xf32>
            %add3A_323 = arith.addf %sub3A_320, %add3A_322 : vector<16xf32>
            %div3A_324 = arith.divf %mul3A_316, %add3A_323 : vector<16xf32>
            %max3A_325 = arith.maximumf %max3A_295, %div3A_324 : vector<16xf32>
            %get3A_326 = arith.constant 48 : index
            %get3A_327 = tpu.vector_load %arg32[%get3A_326] {strides = array<i32>} : memref<112xf32, #tpu.memory_space<vmem>>, vector<16xf32>,
            %max3A_328 = arith.maximumf %gather3A_167, %get3A_327 : vector<16xf32>
            %get3A_329 = arith.constant 48 : index
            %get3A_330 = tpu.vector_load %arg33[%get3A_329] {strides = array<i32>} : memref<112xf32, #tpu.memory_space<vmem>>, vector<16xf32>,
            %max3A_331 = arith.maximumf %gather3A_169, %get3A_330 : vector<16xf32>
            %get3A_332 = arith.constant 48 : index
            %get3A_333 = tpu.vector_load %arg34[%get3A_332] {strides = array<i32>} : memref<112xf32, #tpu.memory_space<vmem>>, vector<16xf32>,
            %min3A_334 = arith.minimumf %gather3A_171, %get3A_333 : vector<16xf32>
            %get3A_335 = arith.constant 48 : index
            %get3A_336 = tpu.vector_load %arg35[%get3A_335] {strides = array<i32>} : memref<112xf32, #tpu.memory_space<vmem>>, vector<16xf32>,
            %min3A_337 = arith.minimumf %gather3A_173, %get3A_336 : vector<16xf32>
            %sub3A_338 = arith.subf %min3A_334, %max3A_328 : vector<16xf32>
            %max3A_339 = arith.constant 0.000000e+00 : f32
            %max3A_340 = vector.broadcast %max3A_339 : f32 to vector<16xf32>
            %max3A_341 = arith.maximumf %sub3A_338, %max3A_340 : vector<16xf32>
            %sub3A_342 = arith.subf %min3A_337, %max3A_331 : vector<16xf32>
            %max3A_343 = arith.constant 0.000000e+00 : f32
            %max3A_344 = vector.broadcast %max3A_343 : f32 to vector<16xf32>
            %max3A_345 = arith.maximumf %sub3A_342, %max3A_344 : vector<16xf32>
            %mul3A_346 = arith.mulf %max3A_341, %max3A_345 : vector<16xf32>
            %get3A_347 = arith.constant 48 : index
            %get3A_348 = tpu.vector_load %arg36[%get3A_347] {strides = array<i32>} : memref<112xf32, #tpu.memory_space<vmem>>, vector<16xf32>,
            %add3A_349 = arith.addf %gather3A_175, %get3A_348 : vector<16xf32>
            %sub3A_350 = arith.subf %add3A_349, %mul3A_346 : vector<16xf32>
            %add3A_351 = arith.constant 9.99999971E-10 : f32
            %add3A_352 = vector.broadcast %add3A_351 : f32 to vector<16xf32>
            %add3A_353 = arith.addf %sub3A_350, %add3A_352 : vector<16xf32>
            %div3A_354 = arith.divf %mul3A_346, %add3A_353 : vector<16xf32>
            %max3A_355 = arith.maximumf %max3A_325, %div3A_354 : vector<16xf32>
            %get3A_356 = arith.constant 64 : index
            %get3A_357 = tpu.vector_load %arg32[%get3A_356] {strides = array<i32>} : memref<112xf32, #tpu.memory_space<vmem>>, vector<16xf32>,
            %max3A_358 = arith.maximumf %gather3A_167, %get3A_357 : vector<16xf32>
            %get3A_359 = arith.constant 64 : index
            %get3A_360 = tpu.vector_load %arg33[%get3A_359] {strides = array<i32>} : memref<112xf32, #tpu.memory_space<vmem>>, vector<16xf32>,
            %max3A_361 = arith.maximumf %gather3A_169, %get3A_360 : vector<16xf32>
            %get3A_362 = arith.constant 64 : index
            %get3A_363 = tpu.vector_load %arg34[%get3A_362] {strides = array<i32>} : memref<112xf32, #tpu.memory_space<vmem>>, vector<16xf32>,
            %min3A_364 = arith.minimumf %gather3A_171, %get3A_363 : vector<16xf32>
            %get3A_365 = arith.constant 64 : index
            %get3A_366 = tpu.vector_load %arg35[%get3A_365] {strides = array<i32>} : memref<112xf32, #tpu.memory_space<vmem>>, vector<16xf32>,
            %min3A_367 = arith.minimumf %gather3A_173, %get3A_366 : vector<16xf32>
            %sub3A_368 = arith.subf %min3A_364, %max3A_358 : vector<16xf32>
            %max3A_369 = arith.constant 0.000000e+00 : f32
            %max3A_370 = vector.broadcast %max3A_369 : f32 to vector<16xf32>
            %max3A_371 = arith.maximumf %sub3A_368, %max3A_370 : vector<16xf32>
            %sub3A_372 = arith.subf %min3A_367, %max3A_361 : vector<16xf32>
            %max3A_373 = arith.constant 0.000000e+00 : f32
            %max3A_374 = vector.broadcast %max3A_373 : f32 to vector<16xf32>
            %max3A_375 = arith.maximumf %sub3A_372, %max3A_374 : vector<16xf32>
            %mul3A_376 = arith.mulf %max3A_371, %max3A_375 : vector<16xf32>
            %get3A_377 = arith.constant 64 : index
            %get3A_378 = tpu.vector_load %arg36[%get3A_377] {strides = array<i32>} : memref<112xf32, #tpu.memory_space<vmem>>, vector<16xf32>,
            %add3A_379 = arith.addf %gather3A_175, %get3A_378 : vector<16xf32>
            %sub3A_380 = arith.subf %add3A_379, %mul3A_376 : vector<16xf32>
            %add3A_381 = arith.constant 9.99999971E-10 : f32
            %add3A_382 = vector.broadcast %add3A_381 : f32 to vector<16xf32>
            %add3A_383 = arith.addf %sub3A_380, %add3A_382 : vector<16xf32>
            %div3A_384 = arith.divf %mul3A_376, %add3A_383 : vector<16xf32>
            %max3A_385 = arith.maximumf %max3A_355, %div3A_384 : vector<16xf32>
            %get3A_386 = arith.constant 80 : index
            %get3A_387 = tpu.vector_load %arg32[%get3A_386] {strides = array<i32>} : memref<112xf32, #tpu.memory_space<vmem>>, vector<16xf32>,
            %max3A_388 = arith.maximumf %gather3A_167, %get3A_387 : vector<16xf32>
            %get3A_389 = arith.constant 80 : index
            %get3A_390 = tpu.vector_load %arg33[%get3A_389] {strides = array<i32>} : memref<112xf32, #tpu.memory_space<vmem>>, vector<16xf32>,
            %max3A_391 = arith.maximumf %gather3A_169, %get3A_390 : vector<16xf32>
            %get3A_392 = arith.constant 80 : index
            %get3A_393 = tpu.vector_load %arg34[%get3A_392] {strides = array<i32>} : memref<112xf32, #tpu.memory_space<vmem>>, vector<16xf32>,
            %min3A_394 = arith.minimumf %gather3A_171, %get3A_393 : vector<16xf32>
            %get3A_395 = arith.constant 80 : index
            %get3A_396 = tpu.vector_load %arg35[%get3A_395] {strides = array<i32>} : memref<112xf32, #tpu.memory_space<vmem>>, vector<16xf32>,
            %min3A_397 = arith.minimumf %gather3A_173, %get3A_396 : vector<16xf32>
            %sub3A_398 = arith.subf %min3A_394, %max3A_388 : vector<16xf32>
            %max3A_399 = arith.constant 0.000000e+00 : f32
            %max3A_400 = vector.broadcast %max3A_399 : f32 to vector<16xf32>
            %max3A_401 = arith.maximumf %sub3A_398, %max3A_400 : vector<16xf32>
            %sub3A_402 = arith.subf %min3A_397, %max3A_391 : vector<16xf32>
            %max3A_403 = arith.constant 0.000000e+00 : f32
            %max3A_404 = vector.broadcast %max3A_403 : f32 to vector<16xf32>
            %max3A_405 = arith.maximumf %sub3A_402, %max3A_404 : vector<16xf32>
            %mul3A_406 = arith.mulf %max3A_401, %max3A_405 : vector<16xf32>
            %get3A_407 = arith.constant 80 : index
            %get3A_408 = tpu.vector_load %arg36[%get3A_407] {strides = array<i32>} : memref<112xf32, #tpu.memory_space<vmem>>, vector<16xf32>,
            %add3A_409 = arith.addf %gather3A_175, %get3A_408 : vector<16xf32>
            %sub3A_410 = arith.subf %add3A_409, %mul3A_406 : vector<16xf32>
            %add3A_411 = arith.constant 9.99999971E-10 : f32
            %add3A_412 = vector.broadcast %add3A_411 : f32 to vector<16xf32>
            %add3A_413 = arith.addf %sub3A_410, %add3A_412 : vector<16xf32>
            %div3A_414 = arith.divf %mul3A_406, %add3A_413 : vector<16xf32>
            %max3A_415 = arith.maximumf %max3A_385, %div3A_414 : vector<16xf32>
            %get3A_416 = arith.constant 96 : index
            %get3A_417 = tpu.vector_load %arg32[%get3A_416] {strides = array<i32>} : memref<112xf32, #tpu.memory_space<vmem>>, vector<16xf32>,
            %max3A_418 = arith.maximumf %gather3A_167, %get3A_417 : vector<16xf32>
            %get3A_419 = arith.constant 96 : index
            %get3A_420 = tpu.vector_load %arg33[%get3A_419] {strides = array<i32>} : memref<112xf32, #tpu.memory_space<vmem>>, vector<16xf32>,
            %max3A_421 = arith.maximumf %gather3A_169, %get3A_420 : vector<16xf32>
            %get3A_422 = arith.constant 96 : index
            %get3A_423 = tpu.vector_load %arg34[%get3A_422] {strides = array<i32>} : memref<112xf32, #tpu.memory_space<vmem>>, vector<16xf32>,
            %min3A_424 = arith.minimumf %gather3A_171, %get3A_423 : vector<16xf32>
            %get3A_425 = arith.constant 96 : index
            %get3A_426 = tpu.vector_load %arg35[%get3A_425] {strides = array<i32>} : memref<112xf32, #tpu.memory_space<vmem>>, vector<16xf32>,
            %min3A_427 = arith.minimumf %gather3A_173, %get3A_426 : vector<16xf32>
            %sub3A_428 = arith.subf %min3A_424, %max3A_418 : vector<16xf32>
            %max3A_429 = arith.constant 0.000000e+00 : f32
            %max3A_430 = vector.broadcast %max3A_429 : f32 to vector<16xf32>
            %max3A_431 = arith.maximumf %sub3A_428, %max3A_430 : vector<16xf32>
            %sub3A_432 = arith.subf %min3A_427, %max3A_421 : vector<16xf32>
            %max3A_433 = arith.constant 0.000000e+00 : f32
            %max3A_434 = vector.broadcast %max3A_433 : f32 to vector<16xf32>
            %max3A_435 = arith.maximumf %sub3A_432, %max3A_434 : vector<16xf32>
            %mul3A_436 = arith.mulf %max3A_431, %max3A_435 : vector<16xf32>
            %get3A_437 = arith.constant 96 : index
            %get3A_438 = tpu.vector_load %arg36[%get3A_437] {strides = array<i32>} : memref<112xf32, #tpu.memory_space<vmem>>, vector<16xf32>,
            %add3A_439 = arith.addf %gather3A_175, %get3A_438 : vector<16xf32>
            %sub3A_440 = arith.subf %add3A_439, %mul3A_436 : vector<16xf32>
            %add3A_441 = arith.constant 9.99999971E-10 : f32
            %add3A_442 = vector.broadcast %add3A_441 : f32 to vector<16xf32>
            %add3A_443 = arith.addf %sub3A_440, %add3A_442 : vector<16xf32>
            %div3A_444 = arith.divf %mul3A_436, %add3A_443 : vector<16xf32>
            %max3A_445 = arith.maximumf %max3A_415, %div3A_444 : vector<16xf32>
            scf.yield %max3A_445 : vector<16xf32>
          }
          %gt3A = arith.constant 0.000000e+00 : f32
          %gt3A_182 = vector.broadcast %gt3A : f32 to vector<16xf32>
          %gt3A_183 = arith.cmpf ogt, %gather3A, %gt3A_182 : vector<16xf32>
          %reduce_or3A = arith.constant 1.000000e+00 : f32
          %reduce_or3A_184 = arith.constant 0.000000e+00 : f32
          %reduce_or3A_185 = vector.broadcast %reduce_or3A : f32 to vector<16xf32>
          %reduce_or3A_186 = vector.broadcast %reduce_or3A_184 : f32 to vector<16xf32>
          %reduce_or3A_187 = arith.select %gt3A_183, %reduce_or3A_185, %reduce_or3A_186 : vector<16xi1>, vector<16xf32>
          %reduce_or3A_188 = arith.constant true
          %reduce_or3A_189 = vector.broadcast %reduce_or3A_188 : i1 to vector<16xi1>
          %reduce_or3A_190 = tpu.scan <max>, %reduce_or3A_187 masked %reduce_or3A_189 : vector<16xf32>, vector<16xi1> -> vector<16xf32>
          %reduce_or3A_191 = vector.extract %reduce_or3A_190[15] : f32 from vector<16xf32>
          %reduce_or3A_192 = arith.constant 0.000000e+00 : f32
          %reduce_or3A_193 = arith.cmpf ogt, %reduce_or3A_191, %reduce_or3A_192 : f32
          %gt3A_194 = arith.constant 5.000000e-01 : f32
          %gt3A_195 = vector.broadcast %gt3A_194 : f32 to vector<16xf32>
          %gt3A_196 = arith.cmpf ogt, %cond3A_181, %gt3A_195 : vector<16xf32>
          %reduce_or3A_197 = arith.constant 1.000000e+00 : f32
          %reduce_or3A_198 = arith.constant 0.000000e+00 : f32
          %reduce_or3A_199 = vector.broadcast %reduce_or3A_197 : f32 to vector<16xf32>
          %reduce_or3A_200 = vector.broadcast %reduce_or3A_198 : f32 to vector<16xf32>
          %reduce_or3A_201 = arith.select %gt3A_196, %reduce_or3A_199, %reduce_or3A_200 : vector<16xi1>, vector<16xf32>
          %reduce_or3A_202 = arith.constant true
          %reduce_or3A_203 = vector.broadcast %reduce_or3A_202 : i1 to vector<16xi1>
          %reduce_or3A_204 = tpu.scan <max>, %reduce_or3A_201 masked %reduce_or3A_203 : vector<16xf32>, vector<16xi1> -> vector<16xf32>
          %reduce_or3A_205 = vector.extract %reduce_or3A_204[15] : f32 from vector<16xf32>
          %reduce_or3A_206 = arith.constant 0.000000e+00 : f32
          %reduce_or3A_207 = arith.cmpf ogt, %reduce_or3A_205, %reduce_or3A_206 : f32
          %not3A = arith.constant true
          %not3A_208 = arith.xori %reduce_or3A_207, %not3A : i1
          %and3A_209 = arith.andi %reduce_or3A_193, %not3A_208 : i1
          %lt3A_210 = arith.constant 100 : i32
          %lt3A_211 = arith.cmpi slt, %while3A_163, %lt3A_210 : i32
          %and3A_212 = arith.andi %and3A_209, %lt3A_211 : i1
          %lt3A_213 = arith.constant 5000 : i32
          %lt3A_214 = arith.cmpi slt, %while3A_162, %lt3A_213 : i32
          %and3A_215 = arith.andi %and3A_212, %lt3A_214 : i1
          %jit3A_216 = arith.constant 111 : i32
          %select_n3A_217 = arith.select %and3A_215, %while3A_163, %jit3A_216 : i32
          %broadcast_in_dim3A_218 = vector.broadcast %select_n3A_217 : i32 to vector<16xi32>
          %and3A_219 = vector.broadcast %and3A_215 : i1 to vector<16xi1>
          %and3A_220 = arith.andi %eq3A_108, %and3A_219 : vector<16xi1>
          tpu.vector_store_idx %arg32[%broadcast_in_dim3A_218], %gather3A_167 masked %and3A_220 : memref<112xf32, #tpu.memory_space<vmem>>[vector<16xi32>], vector<16xf32>, vector<16xi1>
          tpu.vector_store_idx %arg33[%broadcast_in_dim3A_218], %gather3A_169 masked %and3A_220 : memref<112xf32, #tpu.memory_space<vmem>>[vector<16xi32>], vector<16xf32>, vector<16xi1>
          tpu.vector_store_idx %arg34[%broadcast_in_dim3A_218], %gather3A_171 masked %and3A_220 : memref<112xf32, #tpu.memory_space<vmem>>[vector<16xi32>], vector<16xf32>, vector<16xi1>
          tpu.vector_store_idx %arg35[%broadcast_in_dim3A_218], %gather3A_173 masked %and3A_220 : memref<112xf32, #tpu.memory_space<vmem>>[vector<16xi32>], vector<16xf32>, vector<16xi1>
          tpu.vector_store_idx %arg36[%broadcast_in_dim3A_218], %gather3A_175 masked %and3A_220 : memref<112xf32, #tpu.memory_space<vmem>>[vector<16xi32>], vector<16xf32>, vector<16xi1>
          tpu.vector_store_idx %arg37[%broadcast_in_dim3A_218], %gather3A masked %and3A_220 : memref<112xf32, #tpu.memory_space<vmem>>[vector<16xi32>], vector<16xf32>, vector<16xi1>
          %not3A_221 = arith.constant true
          %not3A_222 = arith.xori %and3A_215, %not3A_221 : i1
          %lt3A_223 = arith.constant 128 : i32
          %lt3A_224 = arith.cmpi slt, %while3A_164, %lt3A_223 : i32
          %and3A_225 = arith.andi %not3A_222, %lt3A_224 : i1
          %lt3A_226 = arith.constant 5000 : i32
          %lt3A_227 = arith.cmpi slt, %while3A_162, %lt3A_226 : i32
          %and3A_228 = arith.andi %and3A_225, %lt3A_227 : i1
          %jit3A_229 = arith.constant 127 : i32
          %select_n3A_230 = arith.select %and3A_228, %while3A_164, %jit3A_229 : i32
          %broadcast_in_dim3A_231 = vector.broadcast %select_n3A_230 : i32 to vector<16xi32>
          %broadcast_in_dim3A_232 = vector.broadcast %while3A_162 : i32 to vector<16xi32>
          %and3A_233 = vector.broadcast %and3A_228 : i1 to vector<16xi1>
          %and3A_234 = arith.andi %eq3A_108, %and3A_233 : vector<16xi1>
          tpu.vector_store_idx %arg38[%broadcast_in_dim3A_231], %broadcast_in_dim3A_232 masked %and3A_234 : memref<128xi32, #tpu.memory_space<vmem>>[vector<16xi32>], vector<16xi32>, vector<16xi1>
          %convert_element_type3A_235 = arith.extui %and3A_215 : i1 to i32
          %add3A_236 = arith.addi %while3A_163, %convert_element_type3A_235 : i32
          %convert_element_type3A_237 = arith.extui %and3A_228 : i1 to i32
          %add3A_238 = arith.addi %while3A_164, %convert_element_type3A_237 : i32
          scf.yield %add3A_236, %add3A_238 : i32, i32
        }
        %while3A_160 = arith.constant 1 : i32
        %while3A_161:2 = scf.for %while3A_162 = %while3A_157 to %while3A_153 step %while3A_160 iter_args(%while3A_163 = %while3A_159#0, %while3A_164 = %while3A_159#1) -> (i32, i32)  : i32 {
          %broadcast_in_dim3A_165 = vector.broadcast %while3A_162 : i32 to vector<16xi32>
          %gather3A = tpu.vector_load_idx %arg26[%broadcast_in_dim3A_165] : memref<5120xf32, #tpu.memory_space<vmem>>[vector<16xi32>], vector<16xf32>,
          %broadcast_in_dim3A_166 = vector.broadcast %while3A_162 : i32 to vector<16xi32>
          %gather3A_167 = tpu.vector_load_idx %arg27[%broadcast_in_dim3A_166] : memref<5120xf32, #tpu.memory_space<vmem>>[vector<16xi32>], vector<16xf32>,
          %broadcast_in_dim3A_168 = vector.broadcast %while3A_162 : i32 to vector<16xi32>
          %gather3A_169 = tpu.vector_load_idx %arg28[%broadcast_in_dim3A_168] : memref<5120xf32, #tpu.memory_space<vmem>>[vector<16xi32>], vector<16xf32>,
          %broadcast_in_dim3A_170 = vector.broadcast %while3A_162 : i32 to vector<16xi32>
          %gather3A_171 = tpu.vector_load_idx %arg29[%broadcast_in_dim3A_170] : memref<5120xf32, #tpu.memory_space<vmem>>[vector<16xi32>], vector<16xf32>,
          %broadcast_in_dim3A_172 = vector.broadcast %while3A_162 : i32 to vector<16xi32>
          %gather3A_173 = tpu.vector_load_idx %arg30[%broadcast_in_dim3A_172] : memref<5120xf32, #tpu.memory_space<vmem>>[vector<16xi32>], vector<16xf32>,
          %broadcast_in_dim3A_174 = vector.broadcast %while3A_162 : i32 to vector<16xi32>
          %gather3A_175 = tpu.vector_load_idx %arg31[%broadcast_in_dim3A_174] : memref<5120xf32, #tpu.memory_space<vmem>>[vector<16xi32>], vector<16xf32>,
          %le3A = arith.constant 32 : i32
          %le3A_176 = arith.cmpi sle, %while3A_163, %le3A : i32
          %convert_element_type3A_177 = arith.extui %le3A_176 : i1 to i32
          %cond3A_178 = arith.constant 0 : i32
          %cond3A_179 = arith.constant 0 : i32
          %cond3A_180 = arith.cmpi ne, %convert_element_type3A_177, %cond3A_179 : i32
          %cond3A_181 = scf.if %cond3A_180 -> (vector<16xf32>) {
            %broadcast_in_dim3A_239 = arith.constant 0.000000e+00 : f32
            %broadcast_in_dim3A_240 = vector.broadcast %broadcast_in_dim3A_239 : f32 to vector<16xf32>
            %get3A = arith.constant 0 : index
            %get3A_241 = tpu.vector_load %arg32[%get3A] {strides = array<i32>} : memref<112xf32, #tpu.memory_space<vmem>>, vector<16xf32>,
            %max3A = arith.maximumf %gather3A_167, %get3A_241 : vector<16xf32>
            %get3A_242 = arith.constant 0 : index
            %get3A_243 = tpu.vector_load %arg33[%get3A_242] {strides = array<i32>} : memref<112xf32, #tpu.memory_space<vmem>>, vector<16xf32>,
            %max3A_244 = arith.maximumf %gather3A_169, %get3A_243 : vector<16xf32>
            %get3A_245 = arith.constant 0 : index
            %get3A_246 = tpu.vector_load %arg34[%get3A_245] {strides = array<i32>} : memref<112xf32, #tpu.memory_space<vmem>>, vector<16xf32>,
            %min3A = arith.minimumf %gather3A_171, %get3A_246 : vector<16xf32>
            %get3A_247 = arith.constant 0 : index
            %get3A_248 = tpu.vector_load %arg35[%get3A_247] {strides = array<i32>} : memref<112xf32, #tpu.memory_space<vmem>>, vector<16xf32>,
            %min3A_249 = arith.minimumf %gather3A_173, %get3A_248 : vector<16xf32>
            %sub3A = arith.subf %min3A, %max3A : vector<16xf32>
            %max3A_250 = arith.constant 0.000000e+00 : f32
            %max3A_251 = vector.broadcast %max3A_250 : f32 to vector<16xf32>
            %max3A_252 = arith.maximumf %sub3A, %max3A_251 : vector<16xf32>
            %sub3A_253 = arith.subf %min3A_249, %max3A_244 : vector<16xf32>
            %max3A_254 = arith.constant 0.000000e+00 : f32
            %max3A_255 = vector.broadcast %max3A_254 : f32 to vector<16xf32>
            %max3A_256 = arith.maximumf %sub3A_253, %max3A_255 : vector<16xf32>
            %mul3A_257 = arith.mulf %max3A_252, %max3A_256 : vector<16xf32>
            %get3A_258 = arith.constant 0 : index
            %get3A_259 = tpu.vector_load %arg36[%get3A_258] {strides = array<i32>} : memref<112xf32, #tpu.memory_space<vmem>>, vector<16xf32>,
            %add3A_260 = arith.addf %gather3A_175, %get3A_259 : vector<16xf32>
            %sub3A_261 = arith.subf %add3A_260, %mul3A_257 : vector<16xf32>
            %add3A_262 = arith.constant 9.99999971E-10 : f32
            %add3A_263 = vector.broadcast %add3A_262 : f32 to vector<16xf32>
            %add3A_264 = arith.addf %sub3A_261, %add3A_263 : vector<16xf32>
            %div3A = arith.divf %mul3A_257, %add3A_264 : vector<16xf32>
            %max3A_265 = arith.maximumf %broadcast_in_dim3A_240, %div3A : vector<16xf32>
            %get3A_266 = arith.constant 16 : index
            %get3A_267 = tpu.vector_load %arg32[%get3A_266] {strides = array<i32>} : memref<112xf32, #tpu.memory_space<vmem>>, vector<16xf32>,
            %max3A_268 = arith.maximumf %gather3A_167, %get3A_267 : vector<16xf32>
            %get3A_269 = arith.constant 16 : index
            %get3A_270 = tpu.vector_load %arg33[%get3A_269] {strides = array<i32>} : memref<112xf32, #tpu.memory_space<vmem>>, vector<16xf32>,
            %max3A_271 = arith.maximumf %gather3A_169, %get3A_270 : vector<16xf32>
            %get3A_272 = arith.constant 16 : index
            %get3A_273 = tpu.vector_load %arg34[%get3A_272] {strides = array<i32>} : memref<112xf32, #tpu.memory_space<vmem>>, vector<16xf32>,
            %min3A_274 = arith.minimumf %gather3A_171, %get3A_273 : vector<16xf32>
            %get3A_275 = arith.constant 16 : index
            %get3A_276 = tpu.vector_load %arg35[%get3A_275] {strides = array<i32>} : memref<112xf32, #tpu.memory_space<vmem>>, vector<16xf32>,
            %min3A_277 = arith.minimumf %gather3A_173, %get3A_276 : vector<16xf32>
            %sub3A_278 = arith.subf %min3A_274, %max3A_268 : vector<16xf32>
            %max3A_279 = arith.constant 0.000000e+00 : f32
            %max3A_280 = vector.broadcast %max3A_279 : f32 to vector<16xf32>
            %max3A_281 = arith.maximumf %sub3A_278, %max3A_280 : vector<16xf32>
            %sub3A_282 = arith.subf %min3A_277, %max3A_271 : vector<16xf32>
            %max3A_283 = arith.constant 0.000000e+00 : f32
            %max3A_284 = vector.broadcast %max3A_283 : f32 to vector<16xf32>
            %max3A_285 = arith.maximumf %sub3A_282, %max3A_284 : vector<16xf32>
            %mul3A_286 = arith.mulf %max3A_281, %max3A_285 : vector<16xf32>
            %get3A_287 = arith.constant 16 : index
            %get3A_288 = tpu.vector_load %arg36[%get3A_287] {strides = array<i32>} : memref<112xf32, #tpu.memory_space<vmem>>, vector<16xf32>,
            %add3A_289 = arith.addf %gather3A_175, %get3A_288 : vector<16xf32>
            %sub3A_290 = arith.subf %add3A_289, %mul3A_286 : vector<16xf32>
            %add3A_291 = arith.constant 9.99999971E-10 : f32
            %add3A_292 = vector.broadcast %add3A_291 : f32 to vector<16xf32>
            %add3A_293 = arith.addf %sub3A_290, %add3A_292 : vector<16xf32>
            %div3A_294 = arith.divf %mul3A_286, %add3A_293 : vector<16xf32>
            %max3A_295 = arith.maximumf %max3A_265, %div3A_294 : vector<16xf32>
            scf.yield %max3A_295 : vector<16xf32>
          } else {
            %broadcast_in_dim3A_239 = arith.constant 0.000000e+00 : f32
            %broadcast_in_dim3A_240 = vector.broadcast %broadcast_in_dim3A_239 : f32 to vector<16xf32>
            %get3A = arith.constant 0 : index
            %get3A_241 = tpu.vector_load %arg32[%get3A] {strides = array<i32>} : memref<112xf32, #tpu.memory_space<vmem>>, vector<16xf32>,
            %max3A = arith.maximumf %gather3A_167, %get3A_241 : vector<16xf32>
            %get3A_242 = arith.constant 0 : index
            %get3A_243 = tpu.vector_load %arg33[%get3A_242] {strides = array<i32>} : memref<112xf32, #tpu.memory_space<vmem>>, vector<16xf32>,
            %max3A_244 = arith.maximumf %gather3A_169, %get3A_243 : vector<16xf32>
            %get3A_245 = arith.constant 0 : index
            %get3A_246 = tpu.vector_load %arg34[%get3A_245] {strides = array<i32>} : memref<112xf32, #tpu.memory_space<vmem>>, vector<16xf32>,
            %min3A = arith.minimumf %gather3A_171, %get3A_246 : vector<16xf32>
            %get3A_247 = arith.constant 0 : index
            %get3A_248 = tpu.vector_load %arg35[%get3A_247] {strides = array<i32>} : memref<112xf32, #tpu.memory_space<vmem>>, vector<16xf32>,
            %min3A_249 = arith.minimumf %gather3A_173, %get3A_248 : vector<16xf32>
            %sub3A = arith.subf %min3A, %max3A : vector<16xf32>
            %max3A_250 = arith.constant 0.000000e+00 : f32
            %max3A_251 = vector.broadcast %max3A_250 : f32 to vector<16xf32>
            %max3A_252 = arith.maximumf %sub3A, %max3A_251 : vector<16xf32>
            %sub3A_253 = arith.subf %min3A_249, %max3A_244 : vector<16xf32>
            %max3A_254 = arith.constant 0.000000e+00 : f32
            %max3A_255 = vector.broadcast %max3A_254 : f32 to vector<16xf32>
            %max3A_256 = arith.maximumf %sub3A_253, %max3A_255 : vector<16xf32>
            %mul3A_257 = arith.mulf %max3A_252, %max3A_256 : vector<16xf32>
            %get3A_258 = arith.constant 0 : index
            %get3A_259 = tpu.vector_load %arg36[%get3A_258] {strides = array<i32>} : memref<112xf32, #tpu.memory_space<vmem>>, vector<16xf32>,
            %add3A_260 = arith.addf %gather3A_175, %get3A_259 : vector<16xf32>
            %sub3A_261 = arith.subf %add3A_260, %mul3A_257 : vector<16xf32>
            %add3A_262 = arith.constant 9.99999971E-10 : f32
            %add3A_263 = vector.broadcast %add3A_262 : f32 to vector<16xf32>
            %add3A_264 = arith.addf %sub3A_261, %add3A_263 : vector<16xf32>
            %div3A = arith.divf %mul3A_257, %add3A_264 : vector<16xf32>
            %max3A_265 = arith.maximumf %broadcast_in_dim3A_240, %div3A : vector<16xf32>
            %get3A_266 = arith.constant 16 : index
            %get3A_267 = tpu.vector_load %arg32[%get3A_266] {strides = array<i32>} : memref<112xf32, #tpu.memory_space<vmem>>, vector<16xf32>,
            %max3A_268 = arith.maximumf %gather3A_167, %get3A_267 : vector<16xf32>
            %get3A_269 = arith.constant 16 : index
            %get3A_270 = tpu.vector_load %arg33[%get3A_269] {strides = array<i32>} : memref<112xf32, #tpu.memory_space<vmem>>, vector<16xf32>,
            %max3A_271 = arith.maximumf %gather3A_169, %get3A_270 : vector<16xf32>
            %get3A_272 = arith.constant 16 : index
            %get3A_273 = tpu.vector_load %arg34[%get3A_272] {strides = array<i32>} : memref<112xf32, #tpu.memory_space<vmem>>, vector<16xf32>,
            %min3A_274 = arith.minimumf %gather3A_171, %get3A_273 : vector<16xf32>
            %get3A_275 = arith.constant 16 : index
            %get3A_276 = tpu.vector_load %arg35[%get3A_275] {strides = array<i32>} : memref<112xf32, #tpu.memory_space<vmem>>, vector<16xf32>,
            %min3A_277 = arith.minimumf %gather3A_173, %get3A_276 : vector<16xf32>
            %sub3A_278 = arith.subf %min3A_274, %max3A_268 : vector<16xf32>
            %max3A_279 = arith.constant 0.000000e+00 : f32
            %max3A_280 = vector.broadcast %max3A_279 : f32 to vector<16xf32>
            %max3A_281 = arith.maximumf %sub3A_278, %max3A_280 : vector<16xf32>
            %sub3A_282 = arith.subf %min3A_277, %max3A_271 : vector<16xf32>
            %max3A_283 = arith.constant 0.000000e+00 : f32
            %max3A_284 = vector.broadcast %max3A_283 : f32 to vector<16xf32>
            %max3A_285 = arith.maximumf %sub3A_282, %max3A_284 : vector<16xf32>
            %mul3A_286 = arith.mulf %max3A_281, %max3A_285 : vector<16xf32>
            %get3A_287 = arith.constant 16 : index
            %get3A_288 = tpu.vector_load %arg36[%get3A_287] {strides = array<i32>} : memref<112xf32, #tpu.memory_space<vmem>>, vector<16xf32>,
            %add3A_289 = arith.addf %gather3A_175, %get3A_288 : vector<16xf32>
            %sub3A_290 = arith.subf %add3A_289, %mul3A_286 : vector<16xf32>
            %add3A_291 = arith.constant 9.99999971E-10 : f32
            %add3A_292 = vector.broadcast %add3A_291 : f32 to vector<16xf32>
            %add3A_293 = arith.addf %sub3A_290, %add3A_292 : vector<16xf32>
            %div3A_294 = arith.divf %mul3A_286, %add3A_293 : vector<16xf32>
            %max3A_295 = arith.maximumf %max3A_265, %div3A_294 : vector<16xf32>
            %get3A_296 = arith.constant 32 : index
            %get3A_297 = tpu.vector_load %arg32[%get3A_296] {strides = array<i32>} : memref<112xf32, #tpu.memory_space<vmem>>, vector<16xf32>,
            %max3A_298 = arith.maximumf %gather3A_167, %get3A_297 : vector<16xf32>
            %get3A_299 = arith.constant 32 : index
            %get3A_300 = tpu.vector_load %arg33[%get3A_299] {strides = array<i32>} : memref<112xf32, #tpu.memory_space<vmem>>, vector<16xf32>,
            %max3A_301 = arith.maximumf %gather3A_169, %get3A_300 : vector<16xf32>
            %get3A_302 = arith.constant 32 : index
            %get3A_303 = tpu.vector_load %arg34[%get3A_302] {strides = array<i32>} : memref<112xf32, #tpu.memory_space<vmem>>, vector<16xf32>,
            %min3A_304 = arith.minimumf %gather3A_171, %get3A_303 : vector<16xf32>
            %get3A_305 = arith.constant 32 : index
            %get3A_306 = tpu.vector_load %arg35[%get3A_305] {strides = array<i32>} : memref<112xf32, #tpu.memory_space<vmem>>, vector<16xf32>,
            %min3A_307 = arith.minimumf %gather3A_173, %get3A_306 : vector<16xf32>
            %sub3A_308 = arith.subf %min3A_304, %max3A_298 : vector<16xf32>
            %max3A_309 = arith.constant 0.000000e+00 : f32
            %max3A_310 = vector.broadcast %max3A_309 : f32 to vector<16xf32>
            %max3A_311 = arith.maximumf %sub3A_308, %max3A_310 : vector<16xf32>
            %sub3A_312 = arith.subf %min3A_307, %max3A_301 : vector<16xf32>
            %max3A_313 = arith.constant 0.000000e+00 : f32
            %max3A_314 = vector.broadcast %max3A_313 : f32 to vector<16xf32>
            %max3A_315 = arith.maximumf %sub3A_312, %max3A_314 : vector<16xf32>
            %mul3A_316 = arith.mulf %max3A_311, %max3A_315 : vector<16xf32>
            %get3A_317 = arith.constant 32 : index
            %get3A_318 = tpu.vector_load %arg36[%get3A_317] {strides = array<i32>} : memref<112xf32, #tpu.memory_space<vmem>>, vector<16xf32>,
            %add3A_319 = arith.addf %gather3A_175, %get3A_318 : vector<16xf32>
            %sub3A_320 = arith.subf %add3A_319, %mul3A_316 : vector<16xf32>
            %add3A_321 = arith.constant 9.99999971E-10 : f32
            %add3A_322 = vector.broadcast %add3A_321 : f32 to vector<16xf32>
            %add3A_323 = arith.addf %sub3A_320, %add3A_322 : vector<16xf32>
            %div3A_324 = arith.divf %mul3A_316, %add3A_323 : vector<16xf32>
            %max3A_325 = arith.maximumf %max3A_295, %div3A_324 : vector<16xf32>
            %get3A_326 = arith.constant 48 : index
            %get3A_327 = tpu.vector_load %arg32[%get3A_326] {strides = array<i32>} : memref<112xf32, #tpu.memory_space<vmem>>, vector<16xf32>,
            %max3A_328 = arith.maximumf %gather3A_167, %get3A_327 : vector<16xf32>
            %get3A_329 = arith.constant 48 : index
            %get3A_330 = tpu.vector_load %arg33[%get3A_329] {strides = array<i32>} : memref<112xf32, #tpu.memory_space<vmem>>, vector<16xf32>,
            %max3A_331 = arith.maximumf %gather3A_169, %get3A_330 : vector<16xf32>
            %get3A_332 = arith.constant 48 : index
            %get3A_333 = tpu.vector_load %arg34[%get3A_332] {strides = array<i32>} : memref<112xf32, #tpu.memory_space<vmem>>, vector<16xf32>,
            %min3A_334 = arith.minimumf %gather3A_171, %get3A_333 : vector<16xf32>
            %get3A_335 = arith.constant 48 : index
            %get3A_336 = tpu.vector_load %arg35[%get3A_335] {strides = array<i32>} : memref<112xf32, #tpu.memory_space<vmem>>, vector<16xf32>,
            %min3A_337 = arith.minimumf %gather3A_173, %get3A_336 : vector<16xf32>
            %sub3A_338 = arith.subf %min3A_334, %max3A_328 : vector<16xf32>
            %max3A_339 = arith.constant 0.000000e+00 : f32
            %max3A_340 = vector.broadcast %max3A_339 : f32 to vector<16xf32>
            %max3A_341 = arith.maximumf %sub3A_338, %max3A_340 : vector<16xf32>
            %sub3A_342 = arith.subf %min3A_337, %max3A_331 : vector<16xf32>
            %max3A_343 = arith.constant 0.000000e+00 : f32
            %max3A_344 = vector.broadcast %max3A_343 : f32 to vector<16xf32>
            %max3A_345 = arith.maximumf %sub3A_342, %max3A_344 : vector<16xf32>
            %mul3A_346 = arith.mulf %max3A_341, %max3A_345 : vector<16xf32>
            %get3A_347 = arith.constant 48 : index
            %get3A_348 = tpu.vector_load %arg36[%get3A_347] {strides = array<i32>} : memref<112xf32, #tpu.memory_space<vmem>>, vector<16xf32>,
            %add3A_349 = arith.addf %gather3A_175, %get3A_348 : vector<16xf32>
            %sub3A_350 = arith.subf %add3A_349, %mul3A_346 : vector<16xf32>
            %add3A_351 = arith.constant 9.99999971E-10 : f32
            %add3A_352 = vector.broadcast %add3A_351 : f32 to vector<16xf32>
            %add3A_353 = arith.addf %sub3A_350, %add3A_352 : vector<16xf32>
            %div3A_354 = arith.divf %mul3A_346, %add3A_353 : vector<16xf32>
            %max3A_355 = arith.maximumf %max3A_325, %div3A_354 : vector<16xf32>
            %get3A_356 = arith.constant 64 : index
            %get3A_357 = tpu.vector_load %arg32[%get3A_356] {strides = array<i32>} : memref<112xf32, #tpu.memory_space<vmem>>, vector<16xf32>,
            %max3A_358 = arith.maximumf %gather3A_167, %get3A_357 : vector<16xf32>
            %get3A_359 = arith.constant 64 : index
            %get3A_360 = tpu.vector_load %arg33[%get3A_359] {strides = array<i32>} : memref<112xf32, #tpu.memory_space<vmem>>, vector<16xf32>,
            %max3A_361 = arith.maximumf %gather3A_169, %get3A_360 : vector<16xf32>
            %get3A_362 = arith.constant 64 : index
            %get3A_363 = tpu.vector_load %arg34[%get3A_362] {strides = array<i32>} : memref<112xf32, #tpu.memory_space<vmem>>, vector<16xf32>,
            %min3A_364 = arith.minimumf %gather3A_171, %get3A_363 : vector<16xf32>
            %get3A_365 = arith.constant 64 : index
            %get3A_366 = tpu.vector_load %arg35[%get3A_365] {strides = array<i32>} : memref<112xf32, #tpu.memory_space<vmem>>, vector<16xf32>,
            %min3A_367 = arith.minimumf %gather3A_173, %get3A_366 : vector<16xf32>
            %sub3A_368 = arith.subf %min3A_364, %max3A_358 : vector<16xf32>
            %max3A_369 = arith.constant 0.000000e+00 : f32
            %max3A_370 = vector.broadcast %max3A_369 : f32 to vector<16xf32>
            %max3A_371 = arith.maximumf %sub3A_368, %max3A_370 : vector<16xf32>
            %sub3A_372 = arith.subf %min3A_367, %max3A_361 : vector<16xf32>
            %max3A_373 = arith.constant 0.000000e+00 : f32
            %max3A_374 = vector.broadcast %max3A_373 : f32 to vector<16xf32>
            %max3A_375 = arith.maximumf %sub3A_372, %max3A_374 : vector<16xf32>
            %mul3A_376 = arith.mulf %max3A_371, %max3A_375 : vector<16xf32>
            %get3A_377 = arith.constant 64 : index
            %get3A_378 = tpu.vector_load %arg36[%get3A_377] {strides = array<i32>} : memref<112xf32, #tpu.memory_space<vmem>>, vector<16xf32>,
            %add3A_379 = arith.addf %gather3A_175, %get3A_378 : vector<16xf32>
            %sub3A_380 = arith.subf %add3A_379, %mul3A_376 : vector<16xf32>
            %add3A_381 = arith.constant 9.99999971E-10 : f32
            %add3A_382 = vector.broadcast %add3A_381 : f32 to vector<16xf32>
            %add3A_383 = arith.addf %sub3A_380, %add3A_382 : vector<16xf32>
            %div3A_384 = arith.divf %mul3A_376, %add3A_383 : vector<16xf32>
            %max3A_385 = arith.maximumf %max3A_355, %div3A_384 : vector<16xf32>
            %get3A_386 = arith.constant 80 : index
            %get3A_387 = tpu.vector_load %arg32[%get3A_386] {strides = array<i32>} : memref<112xf32, #tpu.memory_space<vmem>>, vector<16xf32>,
            %max3A_388 = arith.maximumf %gather3A_167, %get3A_387 : vector<16xf32>
            %get3A_389 = arith.constant 80 : index
            %get3A_390 = tpu.vector_load %arg33[%get3A_389] {strides = array<i32>} : memref<112xf32, #tpu.memory_space<vmem>>, vector<16xf32>,
            %max3A_391 = arith.maximumf %gather3A_169, %get3A_390 : vector<16xf32>
            %get3A_392 = arith.constant 80 : index
            %get3A_393 = tpu.vector_load %arg34[%get3A_392] {strides = array<i32>} : memref<112xf32, #tpu.memory_space<vmem>>, vector<16xf32>,
            %min3A_394 = arith.minimumf %gather3A_171, %get3A_393 : vector<16xf32>
            %get3A_395 = arith.constant 80 : index
            %get3A_396 = tpu.vector_load %arg35[%get3A_395] {strides = array<i32>} : memref<112xf32, #tpu.memory_space<vmem>>, vector<16xf32>,
            %min3A_397 = arith.minimumf %gather3A_173, %get3A_396 : vector<16xf32>
            %sub3A_398 = arith.subf %min3A_394, %max3A_388 : vector<16xf32>
            %max3A_399 = arith.constant 0.000000e+00 : f32
            %max3A_400 = vector.broadcast %max3A_399 : f32 to vector<16xf32>
            %max3A_401 = arith.maximumf %sub3A_398, %max3A_400 : vector<16xf32>
            %sub3A_402 = arith.subf %min3A_397, %max3A_391 : vector<16xf32>
            %max3A_403 = arith.constant 0.000000e+00 : f32
            %max3A_404 = vector.broadcast %max3A_403 : f32 to vector<16xf32>
            %max3A_405 = arith.maximumf %sub3A_402, %max3A_404 : vector<16xf32>
            %mul3A_406 = arith.mulf %max3A_401, %max3A_405 : vector<16xf32>
            %get3A_407 = arith.constant 80 : index
            %get3A_408 = tpu.vector_load %arg36[%get3A_407] {strides = array<i32>} : memref<112xf32, #tpu.memory_space<vmem>>, vector<16xf32>,
            %add3A_409 = arith.addf %gather3A_175, %get3A_408 : vector<16xf32>
            %sub3A_410 = arith.subf %add3A_409, %mul3A_406 : vector<16xf32>
            %add3A_411 = arith.constant 9.99999971E-10 : f32
            %add3A_412 = vector.broadcast %add3A_411 : f32 to vector<16xf32>
            %add3A_413 = arith.addf %sub3A_410, %add3A_412 : vector<16xf32>
            %div3A_414 = arith.divf %mul3A_406, %add3A_413 : vector<16xf32>
            %max3A_415 = arith.maximumf %max3A_385, %div3A_414 : vector<16xf32>
            %get3A_416 = arith.constant 96 : index
            %get3A_417 = tpu.vector_load %arg32[%get3A_416] {strides = array<i32>} : memref<112xf32, #tpu.memory_space<vmem>>, vector<16xf32>,
            %max3A_418 = arith.maximumf %gather3A_167, %get3A_417 : vector<16xf32>
            %get3A_419 = arith.constant 96 : index
            %get3A_420 = tpu.vector_load %arg33[%get3A_419] {strides = array<i32>} : memref<112xf32, #tpu.memory_space<vmem>>, vector<16xf32>,
            %max3A_421 = arith.maximumf %gather3A_169, %get3A_420 : vector<16xf32>
            %get3A_422 = arith.constant 96 : index
            %get3A_423 = tpu.vector_load %arg34[%get3A_422] {strides = array<i32>} : memref<112xf32, #tpu.memory_space<vmem>>, vector<16xf32>,
            %min3A_424 = arith.minimumf %gather3A_171, %get3A_423 : vector<16xf32>
            %get3A_425 = arith.constant 96 : index
            %get3A_426 = tpu.vector_load %arg35[%get3A_425] {strides = array<i32>} : memref<112xf32, #tpu.memory_space<vmem>>, vector<16xf32>,
            %min3A_427 = arith.minimumf %gather3A_173, %get3A_426 : vector<16xf32>
            %sub3A_428 = arith.subf %min3A_424, %max3A_418 : vector<16xf32>
            %max3A_429 = arith.constant 0.000000e+00 : f32
            %max3A_430 = vector.broadcast %max3A_429 : f32 to vector<16xf32>
            %max3A_431 = arith.maximumf %sub3A_428, %max3A_430 : vector<16xf32>
            %sub3A_432 = arith.subf %min3A_427, %max3A_421 : vector<16xf32>
            %max3A_433 = arith.constant 0.000000e+00 : f32
            %max3A_434 = vector.broadcast %max3A_433 : f32 to vector<16xf32>
            %max3A_435 = arith.maximumf %sub3A_432, %max3A_434 : vector<16xf32>
            %mul3A_436 = arith.mulf %max3A_431, %max3A_435 : vector<16xf32>
            %get3A_437 = arith.constant 96 : index
            %get3A_438 = tpu.vector_load %arg36[%get3A_437] {strides = array<i32>} : memref<112xf32, #tpu.memory_space<vmem>>, vector<16xf32>,
            %add3A_439 = arith.addf %gather3A_175, %get3A_438 : vector<16xf32>
            %sub3A_440 = arith.subf %add3A_439, %mul3A_436 : vector<16xf32>
            %add3A_441 = arith.constant 9.99999971E-10 : f32
            %add3A_442 = vector.broadcast %add3A_441 : f32 to vector<16xf32>
            %add3A_443 = arith.addf %sub3A_440, %add3A_442 : vector<16xf32>
            %div3A_444 = arith.divf %mul3A_436, %add3A_443 : vector<16xf32>
            %max3A_445 = arith.maximumf %max3A_415, %div3A_444 : vector<16xf32>
            scf.yield %max3A_445 : vector<16xf32>
          }
          %gt3A = arith.constant 0.000000e+00 : f32
          %gt3A_182 = vector.broadcast %gt3A : f32 to vector<16xf32>
          %gt3A_183 = arith.cmpf ogt, %gather3A, %gt3A_182 : vector<16xf32>
          %reduce_or3A = arith.constant 1.000000e+00 : f32
          %reduce_or3A_184 = arith.constant 0.000000e+00 : f32
          %reduce_or3A_185 = vector.broadcast %reduce_or3A : f32 to vector<16xf32>
          %reduce_or3A_186 = vector.broadcast %reduce_or3A_184 : f32 to vector<16xf32>
          %reduce_or3A_187 = arith.select %gt3A_183, %reduce_or3A_185, %reduce_or3A_186 : vector<16xi1>, vector<16xf32>
          %reduce_or3A_188 = arith.constant true
          %reduce_or3A_189 = vector.broadcast %reduce_or3A_188 : i1 to vector<16xi1>
          %reduce_or3A_190 = tpu.scan <max>, %reduce_or3A_187 masked %reduce_or3A_189 : vector<16xf32>, vector<16xi1> -> vector<16xf32>
          %reduce_or3A_191 = vector.extract %reduce_or3A_190[15] : f32 from vector<16xf32>
          %reduce_or3A_192 = arith.constant 0.000000e+00 : f32
          %reduce_or3A_193 = arith.cmpf ogt, %reduce_or3A_191, %reduce_or3A_192 : f32
          %gt3A_194 = arith.constant 5.000000e-01 : f32
          %gt3A_195 = vector.broadcast %gt3A_194 : f32 to vector<16xf32>
          %gt3A_196 = arith.cmpf ogt, %cond3A_181, %gt3A_195 : vector<16xf32>
          %reduce_or3A_197 = arith.constant 1.000000e+00 : f32
          %reduce_or3A_198 = arith.constant 0.000000e+00 : f32
          %reduce_or3A_199 = vector.broadcast %reduce_or3A_197 : f32 to vector<16xf32>
          %reduce_or3A_200 = vector.broadcast %reduce_or3A_198 : f32 to vector<16xf32>
          %reduce_or3A_201 = arith.select %gt3A_196, %reduce_or3A_199, %reduce_or3A_200 : vector<16xi1>, vector<16xf32>
          %reduce_or3A_202 = arith.constant true
          %reduce_or3A_203 = vector.broadcast %reduce_or3A_202 : i1 to vector<16xi1>
          %reduce_or3A_204 = tpu.scan <max>, %reduce_or3A_201 masked %reduce_or3A_203 : vector<16xf32>, vector<16xi1> -> vector<16xf32>
          %reduce_or3A_205 = vector.extract %reduce_or3A_204[15] : f32 from vector<16xf32>
          %reduce_or3A_206 = arith.constant 0.000000e+00 : f32
          %reduce_or3A_207 = arith.cmpf ogt, %reduce_or3A_205, %reduce_or3A_206 : f32
          %not3A = arith.constant true
          %not3A_208 = arith.xori %reduce_or3A_207, %not3A : i1
          %and3A_209 = arith.andi %reduce_or3A_193, %not3A_208 : i1
          %lt3A_210 = arith.constant 100 : i32
          %lt3A_211 = arith.cmpi slt, %while3A_163, %lt3A_210 : i32
          %and3A_212 = arith.andi %and3A_209, %lt3A_211 : i1
          %lt3A_213 = arith.constant 5000 : i32
          %lt3A_214 = arith.cmpi slt, %while3A_162, %lt3A_213 : i32
          %and3A_215 = arith.andi %and3A_212, %lt3A_214 : i1
          %jit3A_216 = arith.constant 111 : i32
          %select_n3A_217 = arith.select %and3A_215, %while3A_163, %jit3A_216 : i32
          %broadcast_in_dim3A_218 = vector.broadcast %select_n3A_217 : i32 to vector<16xi32>
          %and3A_219 = vector.broadcast %and3A_215 : i1 to vector<16xi1>
          %and3A_220 = arith.andi %eq3A_108, %and3A_219 : vector<16xi1>
          tpu.vector_store_idx %arg32[%broadcast_in_dim3A_218], %gather3A_167 masked %and3A_220 : memref<112xf32, #tpu.memory_space<vmem>>[vector<16xi32>], vector<16xf32>, vector<16xi1>
          tpu.vector_store_idx %arg33[%broadcast_in_dim3A_218], %gather3A_169 masked %and3A_220 : memref<112xf32, #tpu.memory_space<vmem>>[vector<16xi32>], vector<16xf32>, vector<16xi1>
          tpu.vector_store_idx %arg34[%broadcast_in_dim3A_218], %gather3A_171 masked %and3A_220 : memref<112xf32, #tpu.memory_space<vmem>>[vector<16xi32>], vector<16xf32>, vector<16xi1>
          tpu.vector_store_idx %arg35[%broadcast_in_dim3A_218], %gather3A_173 masked %and3A_220 : memref<112xf32, #tpu.memory_space<vmem>>[vector<16xi32>], vector<16xf32>, vector<16xi1>
          tpu.vector_store_idx %arg36[%broadcast_in_dim3A_218], %gather3A_175 masked %and3A_220 : memref<112xf32, #tpu.memory_space<vmem>>[vector<16xi32>], vector<16xf32>, vector<16xi1>
          tpu.vector_store_idx %arg37[%broadcast_in_dim3A_218], %gather3A masked %and3A_220 : memref<112xf32, #tpu.memory_space<vmem>>[vector<16xi32>], vector<16xf32>, vector<16xi1>
          %not3A_221 = arith.constant true
          %not3A_222 = arith.xori %and3A_215, %not3A_221 : i1
          %lt3A_223 = arith.constant 128 : i32
          %lt3A_224 = arith.cmpi slt, %while3A_164, %lt3A_223 : i32
          %and3A_225 = arith.andi %not3A_222, %lt3A_224 : i1
          %lt3A_226 = arith.constant 5000 : i32
          %lt3A_227 = arith.cmpi slt, %while3A_162, %lt3A_226 : i32
          %and3A_228 = arith.andi %and3A_225, %lt3A_227 : i1
          %jit3A_229 = arith.constant 127 : i32
          %select_n3A_230 = arith.select %and3A_228, %while3A_164, %jit3A_229 : i32
          %broadcast_in_dim3A_231 = vector.broadcast %select_n3A_230 : i32 to vector<16xi32>
          %broadcast_in_dim3A_232 = vector.broadcast %while3A_162 : i32 to vector<16xi32>
          %and3A_233 = vector.broadcast %and3A_228 : i1 to vector<16xi1>
          %and3A_234 = arith.andi %eq3A_108, %and3A_233 : vector<16xi1>
          tpu.vector_store_idx %arg38[%broadcast_in_dim3A_231], %broadcast_in_dim3A_232 masked %and3A_234 : memref<128xi32, #tpu.memory_space<vmem>>[vector<16xi32>], vector<16xi32>, vector<16xi1>
          %convert_element_type3A_235 = arith.extui %and3A_215 : i1 to i32
          %add3A_236 = arith.addi %while3A_163, %convert_element_type3A_235 : i32
          %convert_element_type3A_237 = arith.extui %and3A_228 : i1 to i32
          %add3A_238 = arith.addi %while3A_164, %convert_element_type3A_237 : i32
          scf.yield %add3A_236, %add3A_238 : i32, i32
        }
        scf.yield %while3A_161#0, %while3A_161#1 : i32, i32
      } else {
        scf.yield %scan3A_127, %scan3A_128 : i32, i32
      }
      scf.yield %cond3A_133#0, %cond3A_133#1 : i32, i32
    }
    %scan3A_115 = arith.constant 40 : i32
    %broadcast_in_dim3A_116 = vector.broadcast %scan3A_114#0 : i32 to vector<16xi32>
    %scan3A_117 = arith.constant 0 : i32
    %scan3A_118 = arith.constant 0 : i32
    %scan3A_119 = arith.constant 8 : i32
    %scan3A_120 = arith.addi %scan3A_118, %scan3A_119 : i32
    %scan3A_121 = arith.constant 1 : i32
    scf.for %scan3A_126 = %scan3A_118 to %scan3A_120 step %scan3A_121  : i32 {
      %mul3A = arith.constant 16 : i32
      %mul3A_127 = arith.muli %scan3A_126, %mul3A : i32
      %mul3A_128 = arith.constant 16 : i32
      %mul3A_129 = arith.muli %scan3A_126, %mul3A_128 : i32
      %add3A = vector.broadcast %mul3A_129 : i32 to vector<16xi32>
      %add3A_130 = arith.addi %iota3A, %add3A : vector<16xi32>
      %lt3A = arith.cmpi slt, %add3A_130, %broadcast_in_dim3A_116 : vector<16xi32>
      %sub3A = arith.subi %add3A_130, %broadcast_in_dim3A_116 : vector<16xi32>
      %max3A = arith.constant 0 : i32
      %max3A_131 = vector.broadcast %max3A : i32 to vector<16xi32>
      %max3A_132 = arith.maxsi %sub3A, %max3A_131 : vector<16xi32>
      %gather3A = tpu.vector_load_idx %arg38[%max3A_132] : memref<128xi32, #tpu.memory_space<vmem>>[vector<16xi32>], vector<16xi32>,
      %gather3A_133 = tpu.vector_load_idx %arg27[%gather3A] : memref<5120xf32, #tpu.memory_space<vmem>>[vector<16xi32>], vector<16xf32>,
      %gather3A_134 = tpu.vector_load_idx %arg28[%gather3A] : memref<5120xf32, #tpu.memory_space<vmem>>[vector<16xi32>], vector<16xf32>,
      %gather3A_135 = tpu.vector_load_idx %arg29[%gather3A] : memref<5120xf32, #tpu.memory_space<vmem>>[vector<16xi32>], vector<16xf32>,
      %gather3A_136 = tpu.vector_load_idx %arg30[%gather3A] : memref<5120xf32, #tpu.memory_space<vmem>>[vector<16xi32>], vector<16xf32>,
      %min3A = arith.constant 111 : i32
      %min3A_137 = vector.broadcast %min3A : i32 to vector<16xi32>
      %min3A_138 = arith.minsi %add3A_130, %min3A_137 : vector<16xi32>
      %gather3A_139 = tpu.vector_load_idx %arg32[%min3A_138] : memref<112xf32, #tpu.memory_space<vmem>>[vector<16xi32>], vector<16xf32>,
      %gather3A_140 = tpu.vector_load_idx %arg33[%min3A_138] : memref<112xf32, #tpu.memory_space<vmem>>[vector<16xi32>], vector<16xf32>,
      %gather3A_141 = tpu.vector_load_idx %arg34[%min3A_138] : memref<112xf32, #tpu.memory_space<vmem>>[vector<16xi32>], vector<16xf32>,
      %gather3A_142 = tpu.vector_load_idx %arg35[%min3A_138] : memref<112xf32, #tpu.memory_space<vmem>>[vector<16xi32>], vector<16xf32>,
      %gather3A_143 = tpu.vector_load_idx %arg37[%min3A_138] : memref<112xf32, #tpu.memory_space<vmem>>[vector<16xi32>], vector<16xf32>,
      %select_n3A_144 = arith.select %lt3A, %gather3A_139, %gather3A_133 : vector<16xi1>, vector<16xf32>
      %swap3A_145 = arith.index_cast %mul3A_127 : i32 to index
      %swap3A_146 = tpu.vector_load %arg39[%swap3A_145] {strides = array<i32>} : memref<128xf32, #tpu.memory_space<vmem>>, vector<16xf32>,
      tpu.vector_store %arg39[%swap3A_145], %select_n3A_144 {strides = array<i32>} : memref<128xf32, #tpu.memory_space<vmem>>, vector<16xf32>,
      %select_n3A_147 = arith.select %lt3A, %gather3A_140, %gather3A_134 : vector<16xi1>, vector<16xf32>
      %swap3A_148 = arith.index_cast %mul3A_127 : i32 to index
      %swap3A_149 = tpu.vector_load %arg40[%swap3A_148] {strides = array<i32>} : memref<128xf32, #tpu.memory_space<vmem>>, vector<16xf32>,
      tpu.vector_store %arg40[%swap3A_148], %select_n3A_147 {strides = array<i32>} : memref<128xf32, #tpu.memory_space<vmem>>, vector<16xf32>,
      %select_n3A_150 = arith.select %lt3A, %gather3A_141, %gather3A_135 : vector<16xi1>, vector<16xf32>
      %swap3A_151 = arith.index_cast %mul3A_127 : i32 to index
      %swap3A_152 = tpu.vector_load %arg41[%swap3A_151] {strides = array<i32>} : memref<128xf32, #tpu.memory_space<vmem>>, vector<16xf32>,
      tpu.vector_store %arg41[%swap3A_151], %select_n3A_150 {strides = array<i32>} : memref<128xf32, #tpu.memory_space<vmem>>, vector<16xf32>,
      %select_n3A_153 = arith.select %lt3A, %gather3A_142, %gather3A_136 : vector<16xi1>, vector<16xf32>
      %swap3A_154 = arith.index_cast %mul3A_127 : i32 to index
      %swap3A_155 = tpu.vector_load %arg42[%swap3A_154] {strides = array<i32>} : memref<128xf32, #tpu.memory_space<vmem>>, vector<16xf32>,
      tpu.vector_store %arg42[%swap3A_154], %select_n3A_153 {strides = array<i32>} : memref<128xf32, #tpu.memory_space<vmem>>, vector<16xf32>,
      %broadcast_in_dim3A_156 = arith.constant -1.000000e+00 : f32
      %broadcast_in_dim3A_157 = vector.broadcast %broadcast_in_dim3A_156 : f32 to vector<16xf32>
      %select_n3A_158 = arith.select %lt3A, %gather3A_143, %broadcast_in_dim3A_157 : vector<16xi1>, vector<16xf32>
      %swap3A_159 = arith.index_cast %mul3A_127 : i32 to index
      %swap3A_160 = tpu.vector_load %arg43[%swap3A_159] {strides = array<i32>} : memref<128xf32, #tpu.memory_space<vmem>>, vector<16xf32>,
      tpu.vector_store %arg43[%swap3A_159], %select_n3A_158 {strides = array<i32>} : memref<128xf32, #tpu.memory_space<vmem>>, vector<16xf32>,
    }
    %scan3A_122 = arith.constant 8 : i32
    %convert_element_type3A_123 = arith.extui %and3A : i1 to i32
    %cond3A_124 = arith.constant 0 : i32
    %cond3A_125 = arith.cmpi ne, %convert_element_type3A_123, %cond3A_124 : i32
    scf.if %cond3A_125 {
      "tpu.region"() ({
        %run_scoped3A = tpu.sem_alloc : memref<!tpu.dma_semaphore, #tpu.memory_space<semaphore_mem>>
        tpu.enqueue_dma source(%arg39 : memref<128xf32, #tpu.memory_space<vmem>>) target(%arg12 : memref<128xf32, #tpu.memory_space<hbm>>) target_semaphore(%run_scoped3A : memref<!tpu.dma_semaphore, #tpu.memory_space<semaphore_mem>>)
        tpu.wait_dma2 semaphore(%run_scoped3A : memref<!tpu.dma_semaphore, #tpu.memory_space<semaphore_mem>>) src(%arg39 : memref<128xf32, #tpu.memory_space<vmem>>) dst(%arg12 : memref<128xf32, #tpu.memory_space<hbm>>)
        tpu.yield
      }) : () -> ()
      "tpu.region"() ({
        %run_scoped3A = tpu.sem_alloc : memref<!tpu.dma_semaphore, #tpu.memory_space<semaphore_mem>>
        tpu.enqueue_dma source(%arg40 : memref<128xf32, #tpu.memory_space<vmem>>) target(%arg13 : memref<128xf32, #tpu.memory_space<hbm>>) target_semaphore(%run_scoped3A : memref<!tpu.dma_semaphore, #tpu.memory_space<semaphore_mem>>)
        tpu.wait_dma2 semaphore(%run_scoped3A : memref<!tpu.dma_semaphore, #tpu.memory_space<semaphore_mem>>) src(%arg40 : memref<128xf32, #tpu.memory_space<vmem>>) dst(%arg13 : memref<128xf32, #tpu.memory_space<hbm>>)
        tpu.yield
      }) : () -> ()
      "tpu.region"() ({
        %run_scoped3A = tpu.sem_alloc : memref<!tpu.dma_semaphore, #tpu.memory_space<semaphore_mem>>
        tpu.enqueue_dma source(%arg41 : memref<128xf32, #tpu.memory_space<vmem>>) target(%arg14 : memref<128xf32, #tpu.memory_space<hbm>>) target_semaphore(%run_scoped3A : memref<!tpu.dma_semaphore, #tpu.memory_space<semaphore_mem>>)
        tpu.wait_dma2 semaphore(%run_scoped3A : memref<!tpu.dma_semaphore, #tpu.memory_space<semaphore_mem>>) src(%arg41 : memref<128xf32, #tpu.memory_space<vmem>>) dst(%arg14 : memref<128xf32, #tpu.memory_space<hbm>>)
        tpu.yield
      }) : () -> ()
      "tpu.region"() ({
        %run_scoped3A = tpu.sem_alloc : memref<!tpu.dma_semaphore, #tpu.memory_space<semaphore_mem>>
        tpu.enqueue_dma source(%arg42 : memref<128xf32, #tpu.memory_space<vmem>>) target(%arg15 : memref<128xf32, #tpu.memory_space<hbm>>) target_semaphore(%run_scoped3A : memref<!tpu.dma_semaphore, #tpu.memory_space<semaphore_mem>>)
        tpu.wait_dma2 semaphore(%run_scoped3A : memref<!tpu.dma_semaphore, #tpu.memory_space<semaphore_mem>>) src(%arg42 : memref<128xf32, #tpu.memory_space<vmem>>) dst(%arg15 : memref<128xf32, #tpu.memory_space<hbm>>)
        tpu.yield
      }) : () -> ()
      "tpu.region"() ({
        %run_scoped3A = tpu.sem_alloc : memref<!tpu.dma_semaphore, #tpu.memory_space<semaphore_mem>>
        tpu.enqueue_dma source(%arg43 : memref<128xf32, #tpu.memory_space<vmem>>) target(%arg16 : memref<128xf32, #tpu.memory_space<hbm>>) target_semaphore(%run_scoped3A : memref<!tpu.dma_semaphore, #tpu.memory_space<semaphore_mem>>)
        tpu.wait_dma2 semaphore(%run_scoped3A : memref<!tpu.dma_semaphore, #tpu.memory_space<semaphore_mem>>) src(%arg43 : memref<128xf32, #tpu.memory_space<vmem>>) dst(%arg16 : memref<128xf32, #tpu.memory_space<hbm>>)
        tpu.yield
      }) : () -> ()
    } else {
    }
    return
  }
}

</mosaic_0001>

<sc_bundles>
// kernel: kernel.3.cloned.1.call-start
scs
__scs_entry_jumppad:
0x0: {  	(pc) =	sbr.rel $0x88, $3  }
0x1: {  	(tag) =	ssettag $0x0;
	lr =	simm.s32 $0x1  }
0x2: {  	[smem:$0x3F9E] =	sst lr;
	_ =	strace $0xD0000000  }
0x3: {  	_ = 	snop  }
0x4: {  	_ = 	snop  }
0x5: {  	_ = 	snop  }
0x6: {  	_ = 	snop  }
0x7: {  	_ = 	snop  }
__scs_overlays_trampoline_lowered:
0x8: {  	[smem:$0x3FAD] =	sst s0  }
0x9: {  	[smem:$0x3FAE] =	sst s1  }
0xa: {  	[smem:$0x3FAF] =	sst s2  }
0xb: {  	[smem:$0x3FB0] =	sst s3  }
0xc: {  	[smem:$0x3FB1] =	sst s4  }
0xd: {  	[smem:$0x3FB2] =	sst s5  }
0xe: {  	[smem:$0x3FB3] =	sst s6  }
0xf: {  	[smem:$0x3FB4] =	sst s7  }
0x10: {  	[smem:$0x3FB5] =	sst s8  }
0x11: {  	[smem:$0x3FB6] =	sst s9;
	s0 =	simm.s32 @!p0 $0x0  }
0x12: {  	s1 =	sld [smem:$0x3F9C];
	s0 =	simm.s32 @p0 $0x1  }
0x13: {  	[smem:$0x3FB7] =	sst s0;
	s0 =	simm.s32 @!p1 $0x0  }
0x14: {  	s2 =	sld [smem:$0x3F9B];
	s0 =	simm.s32 @p1 $0x1  }
0x15: {  	[smem:$0x3FB8] =	sst s0;
	s0 =	simm.s32 @!p2 $0x0  }
0x16: {  	s3 =	sld [smem:$0x3FDB];
	s0 =	simm.s32 @p2 $0x1  }
0x17: {  	s4 =	simm.s32 $0x1BF5;
	[smem:$0x3FBA] =	sst s0  }
0x18: {  	s0 =	sld [smem:$0x3F9D];
	_ =	swait.ge [sflag:s4], $0x0  }
0x19: {  	s7 =	sld [smem:$0x3F9E]  }
0x1a: {  	s8 =	sadd.s32 $0xFFFFE003, lr  }
0x1b: {  	s9 =	sadd.s32 $0xFFFFFEF7, lr;
	s5 =	simm.s32 $0xFFFFFFFF;
	p2 =	slt.u32 s8, $0xFFFFF086  }
0x1c: {  	p1 =	slt.u32 s9, $0xF7A;
	s5 =	simm.s32 @!p2 $0x0  }
0x1d: {  	s5 =	simm.s32 @p1 $0x1;
	p0 =	seq.s32 s7, s2  }
0x1e: {  	s7 =	smul.u32 @!p0 $0xF7A, s2;
	p2 =	seq.s32 @!p0 s5, $0x0  }
0x1f: {  	s9 =	smul.u32 $0xF7A, s1;
	s8 =	simm.s32 @!p0 $0x1BF5;
	p2 =	por !p2, p0  }
0x20: {  	[sflag:s8] =	ssyncset.s32 @!p0 $0xFFFFF086;
	s6 =	sadd.s32 @!p0 s3, s7;
	s7 =	simm.s32 @!p0 $0x108  }
0x21: {  	s3 =	sadd.s32 s3, s9;
	s6 =	sadd.s32 @!p0 $0x88, s6;
	s7 =	simm.s32 @p2 $0x1082  }
0x22: {  	[simem:s7], [sflag:s8] =	dma.local @!p0 [hbm:s6], $0xF7A  }
0x23: {  	s9 =	sor.u32 $0xD0000000, s2;
	s6 =	simm.s32 $0x108;
	_ =	swait.ge @!p0 [sflag:s8], $0x0  }
0x24: {  	s3 =	sadd.s32 $0x88, s3;
	s6 =	simm.s32 @!p1 $0x1082;
	[sflag:s4] =	ssyncset.s32 $0xFFFFF086  }
0x25: {  	[simem:s6], [sflag:s4] =	dma.local [hbm:s3], $0xF7A  }
0x26: {  	[smem:$0x3F9E] =	sst s1;
	(tag) =	ssettag s2;
	_ =	strace s9  }
0x27: {  	s1 =	sld [smem:$0x3FAE]  }
0x28: {  	s2 =	sld [smem:$0x3FAF]  }
0x29: {  	s4 =	sld [smem:$0x3FB1]  }
0x2a: {  	p0 =	seq.s32 s5, $0x0;
	s5 =	sld [smem:$0x3FB2]  }
0x2b: {  	s6 =	sld [smem:$0x3FB3]  }
0x2c: {  	s7 =	sld [smem:$0x3FB4]  }
0x2d: {  	s3 =	simm.s32 $0x108;
	s8 =	sld [smem:$0x3FB5]  }
0x2e: {  	s3 =	simm.s32 @!p0 $0x1082;
	s9 =	sld [smem:$0x3FB6]  }
0x2f: {  	lr =	sadd.s32 s0, s3;
	s0 =	sld [smem:$0x3FAD]  }
0x30: {  	s3 =	sld [smem:$0x3FB0]  }
0x31: {  	[smem:$0x3FB9] =	sst s10  }
0x32: {  	s10 =	sld [smem:$0x3FB7];
	_ =	sdelay $0x3  }
0x33: {  	p0 =	seq.s32 s10, $0x1;
	s10 =	sld [smem:$0x3FB9];
	_ =	sdelay $0x3  }
0x34: {  	[smem:$0x3FB9] =	sst s10  }
0x35: {  	s10 =	sld [smem:$0x3FB8];
	_ =	sdelay $0x3  }
0x36: {  	p1 =	seq.s32 s10, $0x1;
	s10 =	sld [smem:$0x3FB9];
	_ =	sdelay $0x3  }
0x37: {  	[smem:$0x3FB9] =	sst s10  }
0x38: {  	s10 =	sld [smem:$0x3FBA]  }
0x39: {  	_ = 	snop;
	(pc) =	sbr.ind lr, $3  }
0x3a: {  	_ = 	snop  }
0x3b: {  	_ = 	snop  }
0x3c: {  	p2 =	seq.s32 s10, $0x1;
	s10 =	sld [smem:$0x3FB9]  }
0x3d: {  	_ =	shalt  }
0x3e: {  	_ =	shalt  }
0x3f: {  	_ =	shalt  }
0x40: {  	_ =	shalt  }
0x41: {  	_ =	shalt  }
0x42: {  	_ =	shalt  }
0x43: {  	_ =	shalt  }
0x44: {  	_ =	shalt  }
0x45: {  	_ =	shalt  }
0x46: {  	_ =	shalt  }
0x47: {  	_ =	shalt  }
0x48: {  	_ =	shalt  }
0x49: {  	_ =	shalt  }
0x4a: {  	_ =	shalt  }
0x4b: {  	_ =	shalt  }
0x4c: {  	_ =	shalt  }
0x4d: {  	_ =	shalt  }
0x4e: {  	_ =	shalt  }
0x4f: {  	_ =	shalt  }
0x50: {  	_ =	shalt  }
0x51: {  	_ =	shalt  }
0x52: {  	_ =	shalt  }
0x53: {  	_ =	shalt  }
0x54: {  	_ =	shalt  }
0x55: {  	_ =	shalt  }
0x56: {  	_ =	shalt  }
0x57: {  	_ =	shalt  }
0x58: {  	_ =	shalt  }
0x59: {  	_ =	shalt  }
0x5a: {  	_ =	shalt  }
0x5b: {  	_ =	shalt  }
0x5c: {  	_ =	shalt  }
0x5d: {  	_ =	shalt  }
0x5e: {  	_ =	shalt  }
0x5f: {  	_ =	shalt  }
0x60: {  	_ =	shalt  }
0x61: {  	_ =	shalt  }
0x62: {  	_ =	shalt  }
0x63: {  	_ =	shalt  }
0x64: {  	_ =	shalt  }
0x65: {  	_ =	shalt  }
0x66: {  	_ =	shalt  }
0x67: {  	_ =	shalt  }
0x68: {  	_ =	shalt  }
0x69: {  	_ =	shalt  }
0x6a: {  	_ =	shalt  }
0x6b: {  	_ =	shalt  }
0x6c: {  	_ =	shalt  }
0x6d: {  	_ =	shalt  }
0x6e: {  	_ =	shalt  }
0x6f: {  	_ =	shalt  }
0x70: {  	_ =	shalt  }
0x71: {  	_ =	shalt  }
0x72: {  	_ =	shalt  }
0x73: {  	_ =	shalt  }
0x74: {  	_ =	shalt  }
0x75: {  	_ =	shalt  }
0x76: {  	_ =	shalt  }
0x77: {  	_ =	shalt  }
0x78: {  	_ =	shalt  }
0x79: {  	_ =	shalt  }
0x7a: {  	_ =	shalt  }
0x7b: {  	_ =	shalt  }
0x7c: {  	_ =	shalt  }
0x7d: {  	_ =	shalt  }
0x7e: {  	_ =	shalt  }
0x7f: {  	_ =	shalt  }
0x80: {  	_ =	shalt  }
0x81: {  	_ =	shalt  }
0x82: {  	_ =	shalt  }
0x83: {  	_ =	shalt  }
0x84: {  	_ =	shalt  }
0x85: {  	_ =	shalt  }
0x86: {  	_ =	shalt  }
0x87: {  	_ =	shalt  }
.Lfunc_end0:
.L_simem_size_0:
called_computation_lowered:
.L_overlay_start_0:
0x88: {  	s0 =	sld [smem:$0x3FD9]  }
0x89: {  	s1 =	sld [smem:$0x3FFE];
	_ =	sdelay $0x3  }
0x8a: {  	s0 =	sadd.s32 s1, s0  }
0x8b: {  	[smem:$0x3FC5] =	sst s0  }
0x8c: {  	_ = 	snop  }
0x8d: {  	s0 =	sld [smem:$0x3FD0];
	(tm) =	ssettm $0x1  }
0x8e: {  	s16 =	sld [smem:$0x3FFB];
	_ =	sdelay $0x3  }
0x8f: {  	_ =	strace s16  }
0x90: {  	s1 =	sld [smem:$0x3FFC];
	_ =	sdelay $0x3  }
0x91: {  	_ =	strace s1  }
0x92: {  	s1 =	sld [smem:$0x3FFD];
	_ =	sdelay $0x3  }
0x93: {  	_ =	strace s1  }
0x94: {  	_ =	strace $0x8FFFFFFF  }
0x95: {  	s17 =	sld [smem:$0x3FDB];
	_ =	sdelay $0x1  }
0x96: {  	s2 =	simm.s32 $_scs_section_size  }
0x97: {  	s3 =	simm.s32 $_size__tile_overlayer_lowered;
	s4 =	simm.s32 $_tile_overlayer_lowered  }
0x98: {  	s20 =	simm.s32 $0x1BFF;
	s19 =	sshll.u32 s4, $0x1;
	s1 =	sadd.s32 s2, s17  }
0x99: {  	s5 =	simm.s32 $0x0;
	s18 =	sshll.u32 s3, $0x1;
	s3 =	sadd.s32 s19, s1  }
0x9a: {  	[timem:s5], [sflag:s20] =	dma.local [hbm:s3], s18  }
0x9b: {  	_ =	swait.ge [sflag:s20], s18  }
0x9c: {  	s2 =	ssub.s32 $0x0, s18;
	[sflag:s20] =	ssyncset.done $0x0  }
0x9d: {  	[sflag:s20] =	ssyncadd.s32 s2;
	_ =	sdelay $0x1  }
0x9e: {  	s21 =	simm.s32 $0x1B8B  }
0x9f: {  	_ =	swait.ge [sflag:s21], $0x1  }
0xa0: {  	[sflag:s21] =	ssyncset.done $0x0  }
0xa1: {  	s23 =	simm.s32 $0x1B8E;
	s22 =	sld [smem:$0x3FFE];
	[sflag:s21] =	ssyncadd.s32 $0xFFFFFFFF  }
0xa2: {  	s24 =	simm.s32 $execute0_lowered;
	[smem:$0x3FD2] =	sst s23  }
0xa3: {  	s3 =	sshll.u32 s24, $0x1;
	_ =	strace $0x80000046;
	[dreg:$0x1] =	wrdreg $0xFFFFFFFF  }
0xa4: {  	s25 =	simm.s32 $_size_execute0_lowered;
	s1 =	sadd.s32 s1, s3;
	[dreg:$0x0] =	wrdreg $0x0  }
0xa5: {  	s3 =	sshll.u32 s25, $0x1;
	[dreg:$0x2] =	wrdreg s1  }
0xa6: {  	[dreg:$0x3] =	wrdreg s3  }
0xa7: {  	[dreg:$0x4] =	wrdreg $0xC0  }
0xa8: {  	_ =	task [dreg:s5], $0x5FFFF  }
0xa9: {  	[dreg:$0x1] =	wrdreg $0xFFFFFFFF  }
0xaa: {  	[dreg:$0x0] =	wrdreg $0x60  }
0xab: {  	[dreg:$0x2] =	wrdreg s22  }
0xac: {  	[dreg:$0x3] =	wrdreg s0  }
0xad: {  	[dreg:$0x4] =	wrdreg $0x9  }
0xae: {  	_ =	task.clear_ibuf [dreg:s5], $0x5FFFF;
	_ =	strace $0x90000046  }
0xaf: {  	s26 =	simm.s32 $0x9;
	_ =	strace $0x80000048  }
0xb0: {  	_ =	swait.ge [sflag:s26], $0x1  }
0xb1: {  	[sflag:s26] =	ssyncadd.s32 $0xFFFFFFFF  }
0xb2: {  	_ =	strace $0x90000048  }
0xb3: {  	_ =	sfence  }
0xb4: {  	s28 =	sld [smem:$0x0];
	_ =	sdelay $0x1  }
0xb5: {  	s29 =	srdreg.scid  }
0xb6: {  	s30 =	sshll.u32 s29, $0xD;
	s31 =	sshrl.u32 s29, $0x2  }
0xb7: {  	s2 =	sand.u32 $0x4000, s30;
	s1 =	sand.u32 $0x1, s29;
	s0 =	sadd.s32 s31, s28  }
0xb8: {  	s1 =	sor.u32 s2, s1;
	s0 =	sshll.u32 s0, $0x11  }
0xb9: {  	s0 =	sor.u32 s0, s1  }
0xba: {  	s0 =	sadd.s32 $0x8F2B, s0  }
0xbb: {  	[sflag:s0] =	ssyncadd.remote.s32 $0x1  }
0xbc: {  	_ =	sfence.sel $0xFFFF  }
0xbd: {  	[dreg:$0x0] =	wrdreg $0xFFFFFFFF;
	(pc) =	sbr.abs _section_cstart, $3  }
0xbe: {  	[dreg:$0x1] =	wrdreg $0xFFFFFFFF  }
0xbf: {  	_ =	task.clear_ibuf [dreg:s5], $0x2FFFF;
	_ =	strace $0x9FFFFFFF  }
0xc0: {  	(tm) =	ssettm $0x7FFFFFFF  }
0xc1: {  	_ =	shalt  }
tec
execute0_lowered:
.L_overlay_start_1:
0x0: {  	(tag) =	ssettag $0x1  }
0x1: {  	s1 =	stileid.u32  }
0x2: {  	s0 =	rddreg [dreg:$0x0];
	p0 =	sne.s32 s1, $0x0  }
0x3: {  	_ =	strace $0x80000047;
	s1 =	sadd.s32 $0x1400, s0;
	s6 =	simm.s32 @!p0 $0x0  }
0x4: {  	[tilespmem:s6], [sflag:$0x1] =	stream.linear.gather @!p0 [hbm4b:s1+s6], $0x1388, $0x38;
	[tilespmem:$0x13200] =	vst v63  }
0x5: {  	s2 =	simm.s32 @!p0 $0x1400;
	s1 =	sadd.s32 $0x1000, s0  }
0x6: {  	[tilespmem:s2], [sflag:$0x1] =	stream.linear.gather @!p0 [hbm4b:s1+s6], $0x1388, $0x38;
	[tilespmem:$0x13200] =	vst v63  }
0x7: {  	s1 =	sadd.s32 $0xC00, s0;
	s2 =	simm.s32 @!p0 $0x2800  }
0x8: {  	[tilespmem:s2], [sflag:$0x1] =	stream.linear.gather @!p0 [hbm4b:s1+s6], $0x1388, $0x38;
	[tilespmem:$0x13200] =	vst v63  }
0x9: {  	s1 =	sadd.s32 $0x800, s0;
	s2 =	simm.s32 @!p0 $0x3C00  }
0xa: {  	[tilespmem:s2], [sflag:$0x1] =	stream.linear.gather @!p0 [hbm4b:s1+s6], $0x1388, $0x38;
	[tilespmem:$0x13200] =	vst v63  }
0xb: {  	s1 =	sadd.s32 $0x2400, s0;
	s2 =	simm.s32 @!p0 $0x5000  }
0xc: {  	[tilespmem:s2], [sflag:$0x1] =	stream.linear.gather @!p0 [hbm4b:s1+s6], $0x1388, $0x38;
	[tilespmem:$0x13200] =	vst v63  }
0xd: {  	s1 =	sadd.s32 $0x2000, s0;
	s2 =	simm.s32 @!p0 $0x6400  }
0xe: {  	[tilespmem:s2], [sflag:$0x1] =	stream.linear.gather @!p0 [hbm4b:s1+s6], $0x1388, $0x38;
	[tilespmem:$0x13200] =	vst v63  }
0xf: {  	s1 =	sadd.s32 $0x1C00, s0;
	s2 =	simm.s32 @!p0 $0x7800  }
0x10: {  	[tilespmem:s2], [sflag:$0x1] =	stream.linear.gather @!p0 [hbm4b:s1+s6], $0x1388, $0x38;
	[tilespmem:$0x13200] =	vst v63  }
0x11: {  	s1 =	sadd.s32 $0x1800, s0;
	s2 =	simm.s32 @!p0 $0x8C00  }
0x12: {  	[tilespmem:s2], [sflag:$0x1] =	stream.linear.gather @!p0 [hbm4b:s1+s6], $0x1388, $0x38;
	[tilespmem:$0x13200] =	vst v63  }
0x13: {  	s1 =	simm.s32 @!p0 $0xA000  }
0x14: {  	[tilespmem:s1], [sflag:$0x1] =	stream.linear.gather @!p0 [hbm4b:s0+s6], $0x1388, $0x38;
	[tilespmem:$0x13200] =	vst v63  }
0x15: {  	s2 =	simm.s32 @!p0 $0xB400;
	s1 =	sadd.s32 $0x400, s0  }
0x16: {  	[tilespmem:s2], [sflag:$0x1] =	stream.linear.gather @!p0 [hbm4b:s1+s6], $0x1388, $0x38;
	[tilespmem:$0x13200] =	vst v63  }
0x17: {  	s1 =	simm.s32 @!p0 $0x1  }
0x18: {  	_ =	swait.ge @!p0 [sflag:s1], $0x1388  }
0x19: {  	[sflag:s1] =	ssyncset.done @!p0 $0x0  }
0x1a: {  	[sflag:s1] =	ssyncadd.s32 @!p0 $0xFFFFEC78  }
0x1b: {  	_ =	swait.ge @!p0 [sflag:s1], $0x1388  }
0x1c: {  	[sflag:s1] =	ssyncset.done @!p0 $0x0  }
0x1d: {  	[sflag:s1] =	ssyncadd.s32 @!p0 $0xFFFFEC78  }
0x1e: {  	_ =	swait.ge @!p0 [sflag:s1], $0x1388  }
0x1f: {  	[sflag:s1] =	ssyncset.done @!p0 $0x0  }
0x20: {  	[sflag:s1] =	ssyncadd.s32 @!p0 $0xFFFFEC78  }
0x21: {  	_ =	swait.ge @!p0 [sflag:s1], $0x1388  }
0x22: {  	[sflag:s1] =	ssyncset.done @!p0 $0x0  }
0x23: {  	[sflag:s1] =	ssyncadd.s32 @!p0 $0xFFFFEC78  }
0x24: {  	_ =	swait.ge @!p0 [sflag:s1], $0x1388  }
0x25: {  	[sflag:s1] =	ssyncset.done @!p0 $0x0  }
0x26: {  	[sflag:s1] =	ssyncadd.s32 @!p0 $0xFFFFEC78  }
0x27: {  	_ =	swait.ge @!p0 [sflag:s1], $0x1388  }
0x28: {  	[sflag:s1] =	ssyncset.done @!p0 $0x0  }
0x29: {  	[sflag:s1] =	ssyncadd.s32 @!p0 $0xFFFFEC78  }
0x2a: {  	_ =	swait.ge @!p0 [sflag:s1], $0x1388  }
0x2b: {  	[sflag:s1] =	ssyncset.done @!p0 $0x0  }
0x2c: {  	[sflag:s1] =	ssyncadd.s32 @!p0 $0xFFFFEC78  }
0x2d: {  	_ =	swait.ge @!p0 [sflag:s1], $0x1388  }
0x2e: {  	[sflag:s1] =	ssyncset.done @!p0 $0x0  }
0x2f: {  	[sflag:s1] =	ssyncadd.s32 @!p0 $0xFFFFEC78  }
0x30: {  	_ =	swait.ge @!p0 [sflag:s1], $0x1388  }
0x31: {  	[sflag:s1] =	ssyncset.done @!p0 $0x0  }
0x32: {  	[sflag:s1] =	ssyncadd.s32 @!p0 $0xFFFFEC78  }
0x33: {  	_ =	swait.ge @!p0 [sflag:s1], $0x1388  }
0x34: {  	[sflag:s1] =	ssyncset.done @!p0 $0x0  }
0x35: {  	v0 =	vimm.f32 $0.0e+00;
	[sflag:s1] =	ssyncadd.s32 @!p0 $0xFFFFEC78  }
0x36: {  	[tilespmem:$0x12C00] =	vst v0  }
0x37: {  	[tilespmem:$0x12C80] =	vst v0  }
0x38: {  	[tilespmem:$0x12D00] =	vst v0  }
0x39: {  	[tilespmem:$0x12D80] =	vst v0  }
0x3a: {  	[tilespmem:$0x12E00] =	vst v0  }
0x3b: {  	[tilespmem:$0x12E80] =	vst v0  }
0x3c: {  	[tilespmem:$0x12C10] =	vst v0  }
0x3d: {  	[tilespmem:$0x12C90] =	vst v0  }
0x3e: {  	[tilespmem:$0x12D10] =	vst v0  }
0x3f: {  	[tilespmem:$0x12D90] =	vst v0  }
0x40: {  	[tilespmem:$0x12E10] =	vst v0  }
0x41: {  	[tilespmem:$0x12E90] =	vst v0  }
0x42: {  	[tilespmem:$0x12C20] =	vst v0  }
0x43: {  	[tilespmem:$0x12CA0] =	vst v0  }
0x44: {  	[tilespmem:$0x12D20] =	vst v0  }
0x45: {  	[tilespmem:$0x12DA0] =	vst v0  }
0x46: {  	[tilespmem:$0x12E20] =	vst v0  }
0x47: {  	[tilespmem:$0x12EA0] =	vst v0  }
0x48: {  	[tilespmem:$0x12C30] =	vst v0  }
0x49: {  	[tilespmem:$0x12CB0] =	vst v0  }
0x4a: {  	[tilespmem:$0x12D30] =	vst v0  }
0x4b: {  	[tilespmem:$0x12DB0] =	vst v0  }
0x4c: {  	[tilespmem:$0x12E30] =	vst v0  }
0x4d: {  	[tilespmem:$0x12EB0] =	vst v0  }
0x4e: {  	[tilespmem:$0x12C40] =	vst v0  }
0x4f: {  	[tilespmem:$0x12CC0] =	vst v0  }
0x50: {  	[tilespmem:$0x12D40] =	vst v0  }
0x51: {  	[tilespmem:$0x12DC0] =	vst v0  }
0x52: {  	[tilespmem:$0x12E40] =	vst v0  }
0x53: {  	[tilespmem:$0x12EC0] =	vst v0  }
0x54: {  	[tilespmem:$0x12C50] =	vst v0  }
0x55: {  	[tilespmem:$0x12CD0] =	vst v0  }
0x56: {  	[tilespmem:$0x12D50] =	vst v0  }
0x57: {  	[tilespmem:$0x12DD0] =	vst v0  }
0x58: {  	[tilespmem:$0x12E50] =	vst v0  }
0x59: {  	[tilespmem:$0x12ED0] =	vst v0  }
0x5a: {  	[tilespmem:$0x12C60] =	vst v0  }
0x5b: {  	[tilespmem:$0x12CE0] =	vst v0  }
0x5c: {  	s7 =	simm.s32 $0xA000;
	s11 =	simm.s32 $0x10400;
	s12 =	simm.s32 $0x11800;
	[tilespmem:$0x12D60] =	vst v0  }
0x5d: {  	s13 =	simm.s32 $0x0;
	s14 =	simm.s32 $0x1400;
	s15 =	simm.s32 $0x2800;
	[tilespmem:$0x12DE0] =	vst v0  }
0x5e: {  	s16 =	simm.s32 $0x3C00;
	s17 =	simm.s32 $0x7800;
	s18 =	simm.s32 $0x8C00;
	[tilespmem:$0x12E60] =	vst v0  }
0x5f: {  	v1 =	vimm.s32 $0x0;
	s19 =	simm.s32 $0x5000;
	s20 =	simm.s32 $0x6400;
	s21 =	simm.s32 $0xB400;
	[tilespmem:$0x12EE0] =	vst v0  }
0x60: {  	s22 =	simm.s32 $0x12C00;
	s23 =	simm.s32 $0x12C80;
	s28 =	simm.s32 $0x12E80;
	[tilespmem:$0x12F00] =	vst v1  }
0x61: {  	s29 =	simm.s32 $0x12F00;
	s30 =	simm.s32 $0x0;
	s31 =	simm.s32 $0x11800;
	[tilespmem:$0x12F10] =	vst v1  }
0x62: {  	s3 =	simm.s32 $0xC800;
	s4 =	simm.s32 $0x0;
	s24 =	sadd.s32 $0x2800, s0;
	[tilespmem:$0x12F20] =	vst v1  }
.Ltmp0:
0x63: {  	s25 =	sadd.s32 $0x2A00, s0;
	[dreg:$0x6] =	wrdreg s24;
	[tilespmem:$0x12F30] =	vst v1;
	(pc) =	sbr.rel .LBB2_1-.Ltmp0, $4  }
0x64: {  	s26 =	sadd.s32 $0x2C00, s0;
	s0 =	sadd.s32 $0x2E00, s0;
	[dreg:$0x5] =	wrdreg s25;
	[tilespmem:$0x12F40] =	vst v1  }
0x65: {  	s6 =	simm.s32 @p0 $0x64;
	s2 =	simm.s32 $0xDC00;
	[dreg:$0x4] =	wrdreg s26;
	[tilespmem:$0x12F50] =	vst v1  }
0x66: {  	[dreg:$0x3] =	wrdreg s0;
	s24 =	simm.s32 $0x12D00;
	s25 =	simm.s32 $0x12D80;
	[tilespmem:$0x12F60] =	vst v1  }
0x67: {  	vm0 =	vmxor vm0, vm0;
	vm1 =	vmmov $0x1;
	s26 =	simm.s32 $0x12E00;
	s0 =	simm.s32 $0x10400;
	s1 =	simm.s32 $0xF000;
	[tilespmem:$0x12F70] =	vst v1  }
.LBB2_8:
0x68: {  	s4 =	rddreg [dreg:$0x7]  }
0x69: {  	s4 =	sadd.s32 $0x1, s4  }
0x6a: {  	p1 =	sne.s32 s4, $0x28  }
.Ltmp1:
0x6b: {  	_ = 	snop;
	(pc) =	sbr.rel @!p1 .LBB2_9-.Ltmp1, $4  }
0x6c: {  	_ = 	snop  }
0x6d: {  	s7 =	sadd.s32 $0x80, s7  }
0x6e: {  	s3 =	sadd.s32 $0x80, s3;
	s2 =	sadd.s32 $0x80, s2;
	s1 =	sadd.s32 $0x80, s1  }
0x6f: {  	s0 =	sadd.s32 $0x80, s0;
	s31 =	sadd.s32 $0x80, s31;
	s30 =	sadd.s32 $0x80, s30  }
.LBB2_1:
0x70: {  	p1 =	sgt.s32 s6, $0x63  }
.Ltmp2:
0x71: {  	_ = 	snop;
	(pc) =	sbr.rel @p1 .LBB2_8-.Ltmp2, $2  }
0x72: {  	_ =	sdelay $0x2  }
0x73: {  	[dreg:$0x7] =	wrdreg s4  }
0x74: {  	s4 =	sadd.s32 $0x0, s7  }
0x75: {  	v1 =	vld [tilespmem:s4+$0x0];
	_ =	sdelay $0x4  }
0x76: {  	vm2 =	vgt.s32 v1, $0x0  }
0x77: {  	v1 =	vnsel vm2, $0x0, v1  }
0x78: {  	v1 =	vmin.u32 v1, $0x1387;
	_ =	sdelay $0x4  }
0x79: {  	v2 =	vld.idx.msk [tilespmem:v1+s17+$0x0], $0xffff  }
0x7a: {  	v3 =	vld.idx.msk [tilespmem:v1+s18+$0x0], $0xffff;
	_ =	sdelay $0x3  }
0x7b: {  	v2 =	vmin.f32 v2, $4.000000000e+00  }
0x7c: {  	v3 =	vmin.f32 v3, $4.000000000e+00;
	v2 =	vmul.f32 $1.442695020e+00, v2  }
0x7d: {  	v4 =	vld.idx.msk [tilespmem:v1+s16+$0x0], $0xffff;
	v3 =	vmul.f32 $1.442695020e+00, v3  }
0x7e: {  	s5 =	simm.s32 $0x0;
	v5 =	vld.idx.msk [tilespmem:v1+s15+$0x0], $0xffff;
	(erf) = vpow2.f32 v2  }
0x7f: {  	v2 =	vld.idx.msk [tilespmem:v1+s5+$0x0], $0xffff;
	(erf) = vpow2.f32 v3  }
0x80: {  	v3 =	vld.idx.msk [tilespmem:v1+s14+$0x0], $0xffff;
	_ =	sdelay $0x2  }
0x81: {  	v6 =	vld.idx.msk [tilespmem:v1+s19+$0x0], $0xffff  }
0x82: {  	v1 =	vld.idx.msk [tilespmem:v1+s20+$0x0], $0xffff;
	v5 =	vsub.f32 v5, v2  }
0x83: {  	v4 =	vsub.f32 v4, v3  }
0x84: {  	v7 =	vmul.f32 $5.000000000e-01, v5  }
0x85: {  	v8 =	vmul.f32 $5.000000000e-01, v4;
	v9 =	vpop (erf)  }
0x86: {  	v6 =	vmul.f32 v6, v5;
	v2 =	vadd.f32 v7, v2;
	v5 =	vmul.f32 v9, v5;
	v59 =	vpop (erf)  }
0x87: {  	v1 =	vmul.f32 v1, v4;
	v3 =	vadd.f32 v8, v3;
	v4 =	vmul.f32 v59, v4  }
0x88: {  	v2 =	vadd.f32 v6, v2;
	v5 =	vmul.f32 $5.000000000e-01, v5  }
0x89: {  	v1 =	vadd.f32 v1, v3;
	v3 =	vmul.f32 $5.000000000e-01, v4  }
0x8a: {  	v60 =	vsub.f32 v2, v5  }
0x8b: {  	v61 =	vsub.f32 v1, v3  }
0x8c: {  	v2 =	vadd.f32 v5, v2;
	v1 =	vadd.f32 v3, v1;
	v4 =	vmax.f32 v60, $0.0e+00  }
0x8d: {  	s8 =	sadd.s32 $0x0, s3;
	v3 =	vmin.f32 v4, $1.024000000e+03;
	v62 =	vmax.f32 v61, $0.0e+00  }
0x8e: {  	s9 =	sadd.s32 $0x0, s2;
	v2 =	vmax.f32 v2, $0.0e+00;
	v1 =	vmax.f32 v1, $0.0e+00;
	v4 =	vmin.f32 v62, $1.024000000e+03;
	[tilespmem:s8+$0x0] =	vst v3  }
0x8f: {  	s10 =	sadd.s32 $0x0, s1;
	v2 =	vmin.f32 v2, $1.024000000e+03;
	v63 =	vmin.f32 v1, $1.024000000e+03;
	[tilespmem:s9+$0x0] =	vst v4  }
0x90: {  	v1 =	vsub.f32 v2, v3;
	s9 =	sadd.s32 $0x0, s0;
	[tilespmem:s10+$0x0] =	vst v2;
	v2 =	vsub.f32 v63, v4  }
0x91: {  	s4 =	sadd.s32 $0x0, s31;
	s8 =	simm.s32 $0x40;
	[tilespmem:s9+$0x0] =	vst v63  }
.LBB2_3:
0x92: {  	p1 =	sne.s32 s8, $0x1C0;
	v1 =	vmul.f32 v2, v1;
	s9 =	smov.u32 s8;
	s8 =	sadd.s32 $0x40, s8  }
0x93: {  	s9 =	sshra.s32 s9, $0x2  }
0x94: {  	s10 =	sadd.s32 s9, s7;
	[tilespmem:s4+$0x0] =	vst v1;
	s4 =	sadd.s32 s9, s31  }
0x95: {  	v1 =	vld [tilespmem:s10+$0x0];
	_ =	sdelay $0x4  }
0x96: {  	vm2 =	vgt.s32 v1, $0x0  }
0x97: {  	v1 =	vnsel vm2, $0x0, v1  }
0x98: {  	v1 =	vmin.u32 v1, $0x1387;
	_ =	sdelay $0x4  }
0x99: {  	v2 =	vld.idx.msk [tilespmem:v1+s17+$0x0], $0xffff  }
0x9a: {  	v3 =	vld.idx.msk [tilespmem:v1+s18+$0x0], $0xffff;
	_ =	sdelay $0x4  }
0x9b: {  	v2 =	vmin.f32 v2, $4.000000000e+00;
	v4 =	vld.idx.msk [tilespmem:v1+s16+$0x0], $0xffff  }
0x9c: {  	v3 =	vmin.f32 v3, $4.000000000e+00;
	v2 =	vmul.f32 $1.442695020e+00, v2;
	v5 =	vld.idx.msk [tilespmem:v1+s14+$0x0], $0xffff  }
0x9d: {  	v3 =	vmul.f32 $1.442695020e+00, v3;
	v6 =	vld.idx.msk [tilespmem:v1+s15+$0x0], $0xffff  }
0x9e: {  	v7 =	vld.idx.msk [tilespmem:v1+s5+$0x0], $0xffff;
	(erf) = vpow2.f32 v2  }
0x9f: {  	(erf) = vpow2.f32 v3  }
0xa0: {  	v2 =	vld.idx.msk [tilespmem:v1+s19+$0x0], $0xffff  }
0xa1: {  	v1 =	vld.idx.msk [tilespmem:v1+s20+$0x0], $0xffff;
	_ =	sdelay $0x2  }
0xa2: {  	v4 =	vsub.f32 v4, v5;
	v3 =	vsub.f32 v6, v7;
	_ =	sdelay $0x1  }
0xa3: {  	v8 =	vmul.f32 $5.000000000e-01, v4;
	v6 =	vmul.f32 $5.000000000e-01, v3  }
0xa4: {  	v2 =	vmul.f32 v2, v3;
	v1 =	vmul.f32 v1, v4;
	v9 =	vpop (erf)  }
0xa5: {  	v5 =	vadd.f32 v8, v5;
	v6 =	vadd.f32 v6, v7;
	v3 =	vmul.f32 v9, v3;
	v7 =	vpop (erf)  }
0xa6: {  	v4 =	vmul.f32 v7, v4  }
0xa7: {  	v1 =	vadd.f32 v1, v5;
	v2 =	vadd.f32 v2, v6;
	v3 =	vmul.f32 $5.000000000e-01, v3  }
0xa8: {  	v4 =	vmul.f32 $5.000000000e-01, v4  }
0xa9: {  	v5 =	vsub.f32 v2, v3;
	v2 =	vadd.f32 v3, v2  }
0xaa: {  	v3 =	vsub.f32 v1, v4;
	v1 =	vadd.f32 v4, v1  }
0xab: {  	v4 =	vmax.f32 v5, $0.0e+00;
	v2 =	vmax.f32 v2, $0.0e+00  }
.Ltmp3:
0xac: {  	s10 =	sadd.s32 s9, s3;
	v4 =	vmin.f32 v4, $1.024000000e+03;
	v3 =	vmax.f32 v3, $0.0e+00;
	v2 =	vmin.f32 v2, $1.024000000e+03;
	(pc) =	sbr.rel @p1 .LBB2_3-.Ltmp3, $4  }
0xad: {  	v5 =	vmax.f32 v1, $0.0e+00;
	v3 =	vmin.f32 v3, $1.024000000e+03;
	[tilespmem:s10+$0x0] =	vst v4;
	s10 =	sadd.s32 s9, s2;
	v1 =	vsub.f32 v2, v4  }
0xae: {  	v4 =	vmin.f32 v5, $1.024000000e+03;
	[tilespmem:s10+$0x0] =	vst v3;
	s10 =	sadd.s32 s9, s1  }
0xaf: {  	s9 =	sadd.s32 s9, s0;
	[tilespmem:s10+$0x0] =	vst v2;
	v2 =	vsub.f32 v4, v3  }
0xb0: {  	[tilespmem:s9+$0x0] =	vst v4  }
.Ltmp4:
0xb1: {  	(pc) =	sbr.rel .LBB2_5-.Ltmp4, $3  }
0xb2: {  	_ = 	snop  }
0xb3: {  	v1 =	vmul.f32 v2, v1;
	_ =	sdelay $0x1  }
0xb4: {  	s10 =	simm.s32 $0xC800;
	[tilespmem:s4+$0x0] =	vst v1  }
.LBB2_7:
0xb5: {  	vm2 =	vgt.f32 v7, $0.0e+00  }
0xb6: {  	v9 =	vsel vm2, $0x3F800000, v0;
	vm2 =	vgt.f32 v8, $5.000000000e-01  }
0xb7: {  	(xrf0) =	vmax.scan.msk.f32 $0xffff, v9;
	v8 =	vsel vm2, $0x3F800000, v0  }
0xb8: {  	(xrf0) =	vmax.scan.msk.f32 $0xffff, v8;
	_ =	sdelay $0x4  }
0xb9: {  	v60, _, _ =	vpop (xrf0)  }
0xba: {  	(v2sf) =	vpush v60, $0xF;
	v61, _, _ =	vpop (xrf0)  }
0xbb: {  	(v2sf) =	vpush v61, $0xF;
	_ =	sdelay $0xd  }
0xbc: {  	s8 =	spop (v2sf)  }
0xbd: {  	s9 =	spop (v2sf)  }
0xbe: {  	p1 =	sgt.f32 s9, $0.0e+00  }
0xbf: {  	p2 =	sgt.f32 s8, $0.0e+00  }
0xc0: {  	p1 =	por !p1, !p1  }
0xc1: {  	p1 =	por !p2, !p1  }
0xc2: {  	p6 =	slt.s32 s6, $0x64;
	p1 =	por !p1, !p1  }
0xc3: {  	p2 =	por !p6, !p1  }
0xc4: {  	p3 =	slt.u32 s4, $0x1388;
	p1 =	por !p2, !p2  }
0xc5: {  	p1 =	por !p3, !p1  }
0xc6: {  	vm2 =	vmmov vm0;
	p1 =	por !p1, !p1  }
0xc7: {  	s4 =	smov.u32 s6;
	vm2 =	vmneg @p1 vm2  }
0xc8: {  	p4 =	slt.s32 s13, $0x80;
	s4 =	simm.s32 @!p1 $0x6F;
	vm2 =	vmand vm2, vm1  }
0xc9: {  	p2 =	por !p4, !p2;
	v62 =	vmov s4  }
0xca: {  	p2 =	por !p2, !p2  }
0xcb: {  	p2 =	por !p3, !p2  }
0xcc: {  	vm3 =	vmmov vm0;
	p2 =	por !p2, !p2;
	s4 =	smov.u32 s13  }
0xcd: {  	vm3 =	vmneg @p2 vm3;
	s4 =	simm.s32 @!p2 $0x7F  }
0xce: {  	s5 =	sadd.s32 $0x1, s5;
	vm3 =	vmand vm3, vm1;
	v63 =	vmov s4;
	s4 =	simm.s32 $0x1;
	[tilespmem:v62+s22+$0x0] =	vst.idx.msk vm2, v5  }
0xcf: {  	s4 =	simm.s32 @!p1 $0x0;
	p1 =	sne.s32 s5, $0x80;
	[tilespmem:v62+s23+$0x0] =	vst.idx.msk vm2, v4  }
.Ltmp5:
0xd0: {  	[tilespmem:v62+s24+$0x0] =	vst.idx.msk vm2, v2;
	(pc) =	sbr.rel @!p1 .LBB2_8-.Ltmp5, $4  }
0xd1: {  	[tilespmem:v62+s25+$0x0] =	vst.idx.msk vm2, v3  }
0xd2: {  	s8 =	simm.s32 $0x1;
	[tilespmem:v62+s26+$0x0] =	vst.idx.msk vm2, v6  }
0xd3: {  	s8 =	simm.s32 @!p2 $0x0;
	[tilespmem:v62+s28+$0x0] =	vst.idx.msk vm2, v7  }
0xd4: {  	s13 =	sadd.s32 s8, s13;
	s6 =	sadd.s32 s4, s6;
	[tilespmem:v63+s29+$0x0] =	vst.idx.msk vm3, v1  }
.LBB2_5:
0xd5: {  	s4 =	sadd.s32 s5, s30;
	v7 =	vld [tilespmem:$0x12C00]  }
0xd6: {  	v8 =	vld [tilespmem:$0x12C80];
	v1 =	vmov s4  }
0xd7: {  	v9 =	vld [tilespmem:$0x12D00]  }
0xd8: {  	v10 =	vld [tilespmem:$0x12D80]  }
0xd9: {  	v11 =	vld [tilespmem:$0x12C10]  }
0xda: {  	v12 =	vld [tilespmem:$0x12C90]  }
0xdb: {  	s9 =	simm.s32 $0xF000;
	v5 =	vld.idx.msk [tilespmem:v1+s10+$0x0], $0xffff  }
0xdc: {  	s8 =	simm.s32 $0xDC00;
	v2 =	vld.idx.msk [tilespmem:v1+s9+$0x0], $0xffff  }
0xdd: {  	v4 =	vld.idx.msk [tilespmem:v1+s8+$0x0], $0xffff  }
0xde: {  	v3 =	vld.idx.msk [tilespmem:v1+s11+$0x0], $0xffff  }
0xdf: {  	v13 =	vld [tilespmem:$0x12D10]  }
0xe0: {  	v14 =	vld [tilespmem:$0x12D90]  }
0xe1: {  	v6 =	vld.idx.msk [tilespmem:v1+s12+$0x0], $0xffff;
	v7 =	vmax.f32 v5, v7;
	v9 =	vmin.f32 v2, v9  }
0xe2: {  	v7 =	vsub.f32 v9, v7;
	v9 =	vld [tilespmem:$0x12E00]  }
0xe3: {  	v8 =	vmax.f32 v4, v8;
	v10 =	vmin.f32 v3, v10  }
0xe4: {  	v62 =	vld [tilespmem:$0x12E10];
	v8 =	vsub.f32 v10, v8;
	v10 =	vmax.f32 v5, v11;
	v11 =	vmin.f32 v2, v13  }
0xe5: {  	v63 =	vmin.f32 v3, v14;
	v10 =	vsub.f32 v11, v10;
	v11 =	vmax.f32 v4, v12  }
0xe6: {  	v11 =	vsub.f32 v63, v11;
	v7 =	vmax.f32 v7, $0.0e+00;
	v8 =	vmax.f32 v8, $0.0e+00  }
0xe7: {  	v7 =	vmul.f32 v8, v7;
	v8 =	vadd.f32 v9, v6  }
0xe8: {  	v9 =	vmax.f32 v10, $0.0e+00;
	v10 =	vmax.f32 v11, $0.0e+00  }
0xe9: {  	v9 =	vmul.f32 v10, v9;
	v10 =	vadd.f32 v62, v6;
	v8 =	vsub.f32 v8, v7;
	_ =	sdelay $0x1  }
0xea: {  	v10 =	vsub.f32 v10, v9;
	v8 =	vadd.f32 $9.999999710e-10, v8;
	_ =	sdelay $0x1  }
0xeb: {  	v10 =	vadd.f32 $9.999999710e-10, v10;
	(erf) = vrcp.f32 v8;
	_ =	sdelay $0x1  }
0xec: {  	(erf) = vrcp.f32 v10;
	_ =	sdelay $0x6  }
0xed: {  	v8 =	vpop (erf)  }
0xee: {  	v7 =	vmul.f32 v8, v7  }
0xef: {  	p1 =	slt.s32 s6, $0x21;
	v8 =	vpop (erf)  }
.Ltmp6:
0xf0: {  	v8 =	vmul.f32 v8, v9;
	v9 =	vmax.f32 v7, $0.0e+00;
	v7 =	vld.idx.msk [tilespmem:v1+s21+$0x0], $0xffff;
	(pc) =	sbr.rel @p1 .LBB2_7-.Ltmp6, $2  }
0xf1: {  	_ =	sdelay $0x2  }
0xf2: {  	v8 =	vmax.f32 v9, v8  }
0xf3: {  	v9 =	vld [tilespmem:$0x12C20]  }
0xf4: {  	v10 =	vld [tilespmem:$0x12CA0]  }
0xf5: {  	v11 =	vld [tilespmem:$0x12D20]  }
0xf6: {  	v12 =	vld [tilespmem:$0x12DA0]  }
0xf7: {  	v13 =	vld [tilespmem:$0x12E20]  }
0xf8: {  	v14 =	vld [tilespmem:$0x12C30]  }
0xf9: {  	v15 =	vld [tilespmem:$0x12CB0]  }
0xfa: {  	v16 =	vld [tilespmem:$0x12D30]  }
0xfb: {  	v17 =	vld [tilespmem:$0x12DB0]  }
0xfc: {  	v18 =	vld [tilespmem:$0x12C40]  }
0xfd: {  	v19 =	vld [tilespmem:$0x12CC0]  }
0xfe: {  	v20 =	vld [tilespmem:$0x12D40]  }
0xff: {  	v21 =	vld [tilespmem:$0x12CD0]  }
0x100: {  	v22 =	vld [tilespmem:$0x12DD0]  }
0x101: {  	v45 =	vld [tilespmem:$0x12CE0]  }
0x102: {  	v46 =	vld [tilespmem:$0x12D60];
	v9 =	vmax.f32 v5, v9;
	v10 =	vmax.f32 v4, v10;
	v11 =	vmin.f32 v2, v11  }
0x103: {  	v50 =	vld [tilespmem:$0x12E50];
	v12 =	vmin.f32 v3, v12;
	v13 =	vadd.f32 v13, v6;
	v14 =	vmax.f32 v5, v14  }
0x104: {  	v51 =	vld [tilespmem:$0x12E60];
	v16 =	vmin.f32 v2, v16;
	v15 =	vmax.f32 v4, v15;
	v17 =	vmin.f32 v3, v17  }
0x105: {  	v42 =	vld [tilespmem:$0x12C60];
	v43 =	vmax.f32 v5, v18;
	v44 =	vmin.f32 v2, v20;
	v19 =	vmax.f32 v4, v19  }
0x106: {  	v41 =	vld [tilespmem:$0x12C50];
	v21 =	vmax.f32 v4, v21;
	v9 =	vsub.f32 v11, v9;
	v10 =	vsub.f32 v12, v10  }
0x107: {  	v48 =	vld [tilespmem:$0x12E30];
	v22 =	vmin.f32 v3, v22;
	v18 =	vmin.f32 v2, v46;
	v20 =	vmax.f32 v4, v45  }
0x108: {  	v54 =	vadd.f32 v50, v6;
	v11 =	vld [tilespmem:$0x12DC0];
	v9 =	vmax.f32 v9, $0.0e+00;
	v10 =	vmax.f32 v10, $0.0e+00  }
0x109: {  	v55 =	vadd.f32 v51, v6;
	v14 =	vsub.f32 v16, v14;
	v9 =	vmul.f32 v10, v9;
	v10 =	vld [tilespmem:$0x12D50]  }
0x10a: {  	v47 =	vld [tilespmem:$0x12DE0];
	v15 =	vsub.f32 v17, v15;
	v17 =	vsub.f32 v44, v43;
	v16 =	vmax.f32 v5, v42  }
0x10b: {  	v12 =	vmax.f32 v5, v41;
	v21 =	vsub.f32 v22, v21;
	v16 =	vsub.f32 v18, v16  }
0x10c: {  	v49 =	vld [tilespmem:$0x12E40];
	v14 =	vmax.f32 v14, $0.0e+00;
	v15 =	vmax.f32 v15, $0.0e+00;
	v17 =	vmax.f32 v17, $0.0e+00  }
0x10d: {  	v53 =	vmax.f32 v21, $0.0e+00;
	v14 =	vmul.f32 v15, v14;
	v11 =	vmin.f32 v3, v11  }
0x10e: {  	v15 =	vadd.f32 v48, v6;
	v11 =	vsub.f32 v11, v19;
	v10 =	vmin.f32 v2, v10  }
0x10f: {  	v16 =	vmax.f32 v16, $0.0e+00;
	v19 =	vmin.f32 v3, v47;
	v10 =	vsub.f32 v10, v12  }
0x110: {  	v13 =	vsub.f32 v13, v9;
	v52 =	vsub.f32 v19, v20;
	v11 =	vmax.f32 v11, $0.0e+00  }
0x111: {  	v11 =	vmul.f32 v11, v17;
	v12 =	vadd.f32 v49, v6;
	v10 =	vmax.f32 v10, $0.0e+00  }
0x112: {  	v15 =	vsub.f32 v15, v14;
	v17 =	vmax.f32 v52, $0.0e+00;
	v10 =	vmul.f32 v53, v10  }
0x113: {  	v13 =	vadd.f32 $9.999999710e-10, v13;
	v16 =	vmul.f32 v17, v16;
	v12 =	vsub.f32 v12, v11  }
0x114: {  	v15 =	vadd.f32 $9.999999710e-10, v15;
	v56 =	vsub.f32 v54, v10  }
0x115: {  	(erf) = vrcp.f32 v13;
	v57 =	vsub.f32 v55, v16;
	v12 =	vadd.f32 $9.999999710e-10, v12  }
0x116: {  	(erf) = vrcp.f32 v15;
	v58 =	vadd.f32 $9.999999710e-10, v56  }
0x117: {  	v59 =	vadd.f32 $9.999999710e-10, v57;
	(erf) = vrcp.f32 v12  }
0x118: {  	(erf) = vrcp.f32 v58  }
0x119: {  	(erf) = vrcp.f32 v59;
	_ =	sdelay $0x4  }
0x11a: {  	v60 =	vpop (erf)  }
0x11b: {  	v61 =	vpop (erf);
	v9 =	vmul.f32 v60, v9  }
0x11c: {  	v13 =	vmul.f32 v61, v14;
	v62 =	vpop (erf)  }
.Ltmp7:
0x11d: {  	v8 =	vmax.f32 v8, v9;
	v9 =	vmul.f32 v62, v11;
	v63 =	vpop (erf);
	(pc) =	sbr.rel .LBB2_7-.Ltmp7, $4  }
0x11e: {  	v8 =	vmax.f32 v8, v13;
	v10 =	vmul.f32 v63, v10;
	v11 =	vpop (erf)  }
0x11f: {  	v8 =	vmax.f32 v8, v9;
	v9 =	vmul.f32 v11, v16  }
0x120: {  	v8 =	vmax.f32 v8, v10  }
0x121: {  	v8 =	vmax.f32 v8, v9  }
.LBB2_9:
0x122: {  	s0 =	simm.s32 $0x0;
	v1 =	vlaneseq.u32  }
0x123: {  	v0 =	vmov s6;
	v2 =	vor.u32 s0, v1  }
0x124: {  	v3 =	vsub.s32 v2, v0  }
0x125: {  	vm0 =	vgt.s32 v3, $0x0  }
0x126: {  	v3 =	vnsel vm0, $0x0, v3;
	_ =	sdelay $0x3  }
0x127: {  	s0 =	simm.s32 $0x12F00;
	vm14 =	vlt.s32 v2, $0x6F  }
0x128: {  	v4 =	vnsel vm14, $0x6F, v2;
	v3 =	vld.idx.msk [tilespmem:v3+s0+$0x0], $0xffff;
	_ =	sdelay $0x3  }
0x129: {  	s1 =	simm.s32 $0x12D00  }
0x12a: {  	s3 =	simm.s32 $0x12C80;
	v6 =	vld.idx.msk [tilespmem:v4+s1+$0x0], $0xffff  }
0x12b: {  	s4 =	simm.s32 $0x12C00;
	v7 =	vld.idx.msk [tilespmem:v4+s3+$0x0], $0xffff  }
0x12c: {  	s5 =	simm.s32 $0xC800;
	v8 =	vld.idx.msk [tilespmem:v4+s4+$0x0], $0xffff  }
0x12d: {  	s6 =	simm.s32 $0xDC00;
	v9 =	vld.idx.msk [tilespmem:v3+s5+$0x0], $0xffff  }
0x12e: {  	s7 =	simm.s32 $0xF000;
	v10 =	vld.idx.msk [tilespmem:v3+s6+$0x0], $0xffff  }
0x12f: {  	s2 =	simm.s32 $0x12D80;
	v11 =	vld.idx.msk [tilespmem:v3+s7+$0x0], $0xffff  }
0x130: {  	s8 =	simm.s32 $0x10400;
	v5 =	vld.idx.msk [tilespmem:v4+s2+$0x0], $0xffff  }
0x131: {  	s9 =	simm.s32 $0x12E80;
	s12 =	simm.s32 $0x10;
	vm15 =	vlt.s32 v2, v0;
	v3 =	vld.idx.msk [tilespmem:v3+s8+$0x0], $0xffff  }
0x132: {  	s10 =	simm.s32 $0x12F80;
	v2 =	vor.u32 s12, v1;
	v12 =	vld.idx.msk [tilespmem:v4+s9+$0x0], $0xffff;
	v4 =	vsel vm15, v8, v9  }
0x133: {  	s11 =	simm.s32 $0x13000;
	[tilespmem:s10+$0x0] =	vst v4;
	v4 =	vsel vm15, v7, v10;
	v7 =	vsub.s32 v2, v0  }
0x134: {  	s31 =	simm.s32 $0x13080;
	[tilespmem:s11+$0x0] =	vst v4;
	v4 =	vsel vm15, v6, v11;
	vm2 =	vgt.s32 v7, $0x0  }
0x135: {  	[tilespmem:s31+$0x0] =	vst v4;
	v4 =	vnsel vm2, $0x0, v7  }
0x136: {  	s13 =	simm.s32 $0x13100;
	s15 =	simm.s32 $0x13180;
	s16 =	simm.s32 $0x20;
	vm1 =	vlt.s32 v2, $0x6F;
	v5 =	vsel vm15, v5, v3  }
0x137: {  	s14 =	simm.s32 $0x13090;
	s12 =	simm.s32 $0x13190;
	v3 =	vnsel vm1, $0x6F, v2;
	[tilespmem:s13+$0x0] =	vst v5;
	v5 =	vnsel vm15, $0xBF800000, v12;
	s13 =	simm.s32 $0x13110  }
.LBB2_10:
0x138: {  	s10 =	sadd.s32 $0x10, s10;
	s11 =	sadd.s32 $0x10, s11  }
0x139: {  	[tilespmem:s15+$0x0] =	vst v5;
	s17 =	smov.u32 s16;
	s18 =	sadd.s32 $0x10, s16;
	s15 =	smov.u32 s12  }
0x13a: {  	p1 =	sne.s32 s16, $0x70;
	v4 =	vld.idx.msk [tilespmem:v4+s0+$0x0], $0xffff;
	_ =	sdelay $0x3  }
0x13b: {  	v5 =	vld.idx.msk [tilespmem:v3+s2+$0x0], $0xffff  }
0x13c: {  	v6 =	vld.idx.msk [tilespmem:v3+s1+$0x0], $0xffff  }
0x13d: {  	v7 =	vld.idx.msk [tilespmem:v3+s3+$0x0], $0xffff  }
0x13e: {  	v8 =	vld.idx.msk [tilespmem:v3+s4+$0x0], $0xffff  }
0x13f: {  	v9 =	vld.idx.msk [tilespmem:v4+s5+$0x0], $0xffff  }
0x140: {  	v10 =	vld.idx.msk [tilespmem:v4+s6+$0x0], $0xffff  }
0x141: {  	v11 =	vld.idx.msk [tilespmem:v4+s7+$0x0], $0xffff  }
0x142: {  	v12 =	vld.idx.msk [tilespmem:v4+s8+$0x0], $0xffff  }
0x143: {  	v4 =	vor.u32 s17, v1;
	v13 =	vld.idx.msk [tilespmem:v3+s9+$0x0], $0xffff  }
0x144: {  	vm1 =	vlt.s32 v2, v0;
	v14 =	vsub.s32 v4, v0;
	vm0 =	vlt.s32 v4, $0x6F;
	v2 =	vmovc v4  }
.Ltmp8:
0x145: {  	vm2 =	vgt.s32 v14, $0x0;
	v3 =	vnsel vm0, $0x6F, v2;
	v8 =	vsel vm1, v8, v9;
	(pc) =	sbr.rel @p1 .LBB2_10-.Ltmp8, $4  }
0x146: {  	v4 =	vnsel vm2, $0x0, v14;
	v7 =	vsel vm1, v7, v10;
	[tilespmem:s10+$0x0] =	vst v8  }
0x147: {  	v6 =	vsel vm1, v6, v11;
	[tilespmem:s11+$0x0] =	vst v7  }
0x148: {  	s12 =	sadd.s32 $0x10, s12;
	v5 =	vsel vm1, v5, v12;
	[tilespmem:s14+$0x0] =	vst v6  }
0x149: {  	s16 =	smov.u32 s18;
	s14 =	sadd.s32 $0x10, s14;
	[tilespmem:s13+$0x0] =	vst v5;
	v5 =	vnsel vm1, $0xBF800000, v13;
	s13 =	sadd.s32 $0x10, s13  }
0x14a: {  	_ =	sdelay $0x2  }
0x14b: {  	[tilespmem:s15+$0x0] =	vst v5  }
0x14c: {  	v1 =	vld.idx.msk [tilespmem:v4+s0+$0x0], $0xffff;
	_ =	sdelay $0x3  }
0x14d: {  	v58 =	vld.idx.msk [tilespmem:v3+s2+$0x0], $0xffff  }
0x14e: {  	v5 =	vld.idx.msk [tilespmem:v3+s1+$0x0], $0xffff  }
0x14f: {  	v6 =	vld.idx.msk [tilespmem:v3+s3+$0x0], $0xffff  }
0x150: {  	v7 =	vld.idx.msk [tilespmem:v3+s4+$0x0], $0xffff  }
0x151: {  	v8 =	vld.idx.msk [tilespmem:v1+s5+$0x0], $0xffff  }
0x152: {  	v9 =	vld.idx.msk [tilespmem:v1+s6+$0x0], $0xffff  }
0x153: {  	v10 =	vld.idx.msk [tilespmem:v1+s7+$0x0], $0xffff  }
0x154: {  	v1 =	vld.idx.msk [tilespmem:v1+s8+$0x0], $0xffff  }
0x155: {  	vm0 =	vlt.s32 v2, v0;
	v59 =	vld.idx.msk [tilespmem:v3+s9+$0x0], $0xffff  }
0x156: {  	s30 =	sadd.s32 $0x10, s10;
	v0 =	vsel vm0, v7, v8  }
0x157: {  	s31 =	sadd.s32 $0x10, s11;
	v60 =	vsel vm0, v6, v9;
	[tilespmem:s30+$0x0] =	vst v0  }
0x158: {  	v61 =	vsel vm0, v5, v10;
	[tilespmem:s31+$0x0] =	vst v60  }
0x159: {  	v62 =	vsel vm0, v58, v1;
	[tilespmem:s14+$0x0] =	vst v61  }
0x15a: {  	v63 =	vnsel vm0, $0xBF800000, v59;
	[tilespmem:s13+$0x0] =	vst v62  }
0x15b: {  	[tilespmem:s12+$0x0] =	vst v63  }
0x15c: {  	_ =	sfence.sel @p0 $0x180000  }
0x15d: {  	[bflag:$0x0] =	sbarrier.arrive @p0 $0xFFFF  }
0x15e: {  	_ =	strace @p0 $0x90000047  }
0x15f: {  	[bflag:$0x2] =	sbarrier.arrive @p0 $0xFFFF  }
0x160: {  	s0 =	simm.s32 @!p0 $0x0;
	s1 =	simm.s32 @!p0 $0x12F80;
	s2 =	rddreg [dreg:$0x1]  }
0x161: {  	[hbm4b:s2+s0] =	stream.linear.scatter @!p0 [tilespmem:s1], [sflag:$0x2], $0x80, $0x38;
	[tilespmem:$0x13200] =	vst v63  }
0x162: {  	s1 =	simm.s32 @!p0 $0x2  }
0x163: {  	_ =	swait.ge @!p0 [sflag:s1], $0x80  }
0x164: {  	[sflag:s1] =	ssyncset.done @!p0 $0x0  }
0x165: {  	s2 =	simm.s32 @!p0 $0x13000;
	s3 =	rddreg [dreg:$0x6];
	[sflag:s1] =	ssyncadd.s32 @!p0 $0xFFFFFF80  }
0x166: {  	[hbm4b:s3+s0] =	stream.linear.scatter @!p0 [tilespmem:s2], [sflag:$0x2], $0x80, $0x38;
	[tilespmem:$0x13200] =	vst v63  }
0x167: {  	_ =	swait.ge @!p0 [sflag:s1], $0x80  }
0x168: {  	[sflag:s1] =	ssyncset.done @!p0 $0x0  }
0x169: {  	s2 =	simm.s32 @!p0 $0x13080;
	s3 =	rddreg [dreg:$0x5];
	[sflag:s1] =	ssyncadd.s32 @!p0 $0xFFFFFF80  }
0x16a: {  	[hbm4b:s3+s0] =	stream.linear.scatter @!p0 [tilespmem:s2], [sflag:$0x2], $0x80, $0x38;
	[tilespmem:$0x13200] =	vst v63  }
0x16b: {  	_ =	swait.ge @!p0 [sflag:s1], $0x80  }
0x16c: {  	[sflag:s1] =	ssyncset.done @!p0 $0x0  }
0x16d: {  	s2 =	simm.s32 @!p0 $0x13100;
	s3 =	rddreg [dreg:$0x4];
	[sflag:s1] =	ssyncadd.s32 @!p0 $0xFFFFFF80  }
0x16e: {  	[hbm4b:s3+s0] =	stream.linear.scatter @!p0 [tilespmem:s2], [sflag:$0x2], $0x80, $0x38;
	[tilespmem:$0x13200] =	vst v63  }
0x16f: {  	_ =	swait.ge @!p0 [sflag:s1], $0x80  }
0x170: {  	[sflag:s1] =	ssyncset.done @!p0 $0x0  }
0x171: {  	s2 =	simm.s32 @!p0 $0x13180;
	s3 =	rddreg [dreg:$0x3];
	[sflag:s1] =	ssyncadd.s32 @!p0 $0xFFFFFF80  }
0x172: {  	[hbm4b:s3+s0] =	stream.linear.scatter @!p0 [tilespmem:s2], [sflag:$0x2], $0x80, $0x38;
	[tilespmem:$0x13200] =	vst v63  }
0x173: {  	_ =	swait.ge @!p0 [sflag:s1], $0x80  }
0x174: {  	[sflag:s1] =	ssyncset.done @!p0 $0x0  }
0x175: {  	[sflag:s1] =	ssyncadd.s32 @!p0 $0xFFFFFF80  }
0x176: {  	_ =	sfence.sel @!p0 $0x180000  }
0x177: {  	[bflag:$0x0] =	sbarrier.arrive @!p0 $0xFFFF  }
0x178: {  	_ =	strace @!p0 $0x90000047  }
0x179: {  	[bflag:$0x2] =	sbarrier.arrive @!p0 $0xFFFF  }
0x17a: {  	s0 =	rddreg [dreg:$0x2]  }
0x17b: {  	s0 =	sadd.s32 @!p0 $0x100000, s0  }
0x17c: {  	[sflag:s0] =	ssyncadd.tile.s32 @!p0 $0x1;
	_ =	shalt  }
.Lfunc_end2:
_tile_overlayer_lowered:
.L_overlay_start_2:
0x17d: {  	(tag) =	ssettag $0x2  }
0x17e: {  	s0 =	rddreg [dreg:$0x0];
	s2 =	stileid.u32  }
0x17f: {  	s1 =	rddreg [dreg:$0x1];
	p0 =	sne.s32 s2, $0x0  }
0x180: {  	s3 =	rddreg [dreg:$0x2];
	[bflag:$0x3] =	sbarrier.arrive $0xFFFF;
	s2 =	simm.s32 @!p0 $0x1C02  }
0x181: {  	[timem:s3], [sflag:s2] =	dma.local @!p0 [hbm:s0], s1  }
0x182: {  	s0 =	simm.s32 @!p0 $0x2  }
0x183: {  	_ =	swait.ge @!p0 [sflag:s0], s1  }
0x184: {  	s1 =	ssub.s32 @!p0 $0x0, s1;
	[sflag:s0] =	ssyncset.done @!p0 $0x0  }
0x185: {  	[sflag:s0] =	ssyncadd.s32 @!p0 s1  }
0x186: {  	[bflag:$0x3] =	sbarrier.arrive $0xFFFF  }
0x187: {  	_ =	shalt  }

</sc_bundles>
